<compile_context>
chip_gen: v7x
topology: tpu7x:2x2x1
jax: 0.10.2.dev20260603
libtpu: 0.0.44.dev20260713+nightly
codegen_flags: <defaults>
</compile_context>

<pallas_src>
import jax
import jax.numpy as jnp
from jax.experimental import pallas as pl
from jax.experimental.pallas import tpu as pltpu
from jax.experimental.pallas import tpu_sc as plsc

B = 1024
W = 100
D = 300
BB = 32
G = 8
NUM_SC = 2
NCHUNK = 4
CB = B // NCHUNK


def _sc_gather(ent_embeddings, ent_idxes_chunk):
    mesh = plsc.ScalarSubcoreMesh(axis_name="core", num_cores=NUM_SC)
    half = CB // NUM_SC

    @pl.kernel(
        out_type=jax.ShapeDtypeStruct((CB, D), jnp.float32),
        mesh=mesh,
        scratch_types=[
            pltpu.SMEM((CB,), jnp.int32),
            pltpu.SemaphoreType.DMA,
            pltpu.SemaphoreType.DMA,
        ],
    )
    def gather_kernel(tbl_hbm, idx_hbm, out_hbm, idx_smem, sem_idx, sem_rows):
        core = jax.lax.axis_index("core")
        base = core * half
        pltpu.async_copy(idx_hbm, idx_smem, sem_idx).wait()

        @pl.loop(0, half)
        def _issue(i):
            j = base + i
            pltpu.make_async_copy(
                tbl_hbm.at[idx_smem[j]], out_hbm.at[j], sem_rows
            ).start()

        pltpu.make_async_copy(
            tbl_hbm.at[pl.ds(0, half)], out_hbm.at[pl.ds(base, half)], sem_rows
        ).wait()

    return gather_kernel(ent_embeddings, ent_idxes_chunk)


def _fused_body(ctxt_ref, ent_ref, out_ref):
    nt = (((1,), (1,)), ((), ()))
    ones = jnp.ones((1, D), jnp.float32)
    i = pl.program_id(0)
    for q in range(BB // G):
        x8 = ctxt_ref[q * G * W:(q + 1) * G * W, :]
        base = pl.multiple_of(i * BB + q * G, G)
        e8 = ent_ref[pl.ds(base, G), :]
        dots = jax.lax.dot_general(e8, x8, nt,
                                   preferred_element_type=jnp.float32)
        ss = jax.lax.dot_general(ones, x8 * x8, nt,
                                 preferred_element_type=jnp.float32)
        scaled = dots * jax.lax.rsqrt(jnp.maximum(ss, 1e-24))
        for g in range(G):
            out_ref[pl.ds(base + g, 1), :] = scaled[g:g + 1, g * W:(g + 1) * W]


def _tc_chunk(ctxt_word_vecs, gathered, c):
    return pl.pallas_call(
        _fused_body,
        grid=(CB // BB,),
        in_specs=[
            pl.BlockSpec((BB * W, D), lambda i, c=c: (c * (CB // BB) + i, 0)),
            pl.BlockSpec((CB, D), lambda i: (0, 0)),
        ],
        out_specs=pl.BlockSpec((CB, W), lambda i: (0, 0)),
        out_shape=jax.ShapeDtypeStruct((CB, W), jnp.float32),
    )(ctxt_word_vecs, gathered)


@jax.jit
def kernel(ctxt_word_vecs, ent_idxes, ent_embeddings):
    outs = []
    for c in range(NCHUNK):
        idx_c = jax.lax.slice_in_dim(ent_idxes, c * CB, (c + 1) * CB)
        gathered = _sc_gather(ent_embeddings, idx_c)
        outs.append(_tc_chunk(ctxt_word_vecs, gathered, c))
    out = jnp.concatenate(outs, axis=0)
    return out.reshape(B * 20, 5)

# --- scband reference (transcript-rebuilt; emitter-appended) ---
"""Pipeline reference for scband-ent-to-vec-model-18287970746960 (READ-ONLY COPY).

The authoritative reference and input builder live on the scoring server;
editing this copy changes nothing except your own understanding.
"""

import jax, jax.numpy as jnp
import numpy as np

BATCH_SIZE = 1024
NUM_WORDS_PER_ENT = 20
NUM_NEG_WORDS = 5
TOTAL_ENT_NUM = 100000
EMBEDDING_SIZE = 300


def setup_inputs(seed: int = 0) -> dict:
    key = jax.random.key(seed)
    k1, k2, k3 = jax.random.split(key, 3)
    ctxt_word_vecs = jax.random.normal(k1, (BATCH_SIZE * NUM_WORDS_PER_ENT * NUM_NEG_WORDS, EMBEDDING_SIZE), dtype=jnp.float32)
    ent_idxes = jax.random.randint(k2, (BATCH_SIZE,), 0, TOTAL_ENT_NUM, dtype=jnp.int64 if jax.config.jax_enable_x64 else jnp.int32).astype(jnp.int32)
    ent_embeddings = jax.random.normal(k3, (TOTAL_ENT_NUM, EMBEDDING_SIZE), dtype=jnp.float32)
    return {"ctxt_word_vecs": ctxt_word_vecs, "ent_idxes": ent_idxes, "ent_embeddings": ent_embeddings}


def _normalize(x, axis=1, eps=1e-12):
    n = jnp.sqrt(jnp.sum(x * x, axis=axis, keepdims=True))
    return x / jnp.maximum(n, eps)


def reference(ctxt_word_vecs, ent_idxes, ent_embeddings):
    # ent_vecs = self.ent_embeddings(ent_idxes).view(B, -1, 1)
    ent_vecs = jnp.take(ent_embeddings, ent_idxes, axis=0).reshape(BATCH_SIZE, -1, 1)
    # ctxt = F.normalize(ctxt_word_vecs).view(B, W*NEG, -1)
    ctxt = _normalize(ctxt_word_vecs, axis=1).reshape(BATCH_SIZE, NUM_WORDS_PER_ENT * NUM_NEG_WORDS, -1)
    # sims = matmul(ctxt, ent_vecs).view(B*W, -1)
    sims = jnp.matmul(ctxt, ent_vecs).reshape(BATCH_SIZE * NUM_WORDS_PER_ENT, -1)
    return sims

if __name__ == "__main__":
    import jax
    _d = setup_inputs()
    print(jax.jit(kernel)(*tuple(_d.values())))

</pallas_src>

<mosaic_0001>
#map = affine_map<(d0) -> (0, 0)>
#map1 = affine_map<(d0) -> (0)>
module attributes {stable_mosaic.version = 14 : i64} {
  func.func @gather_kernel(%arg0: i32, %arg1: memref<100000x300xf32, #tpu.memory_space<hbm>>, %arg2: memref<256xi32, #tpu.memory_space<hbm>>, %arg3: memref<256x300xf32, #tpu.memory_space<hbm>>, %arg4: memref<256xi32, #tpu.memory_space<smem>>, %arg5: memref<!tpu.dma_semaphore, #tpu.memory_space<semaphore_mem>>, %arg6: memref<!tpu.dma_semaphore, #tpu.memory_space<semaphore_mem>>) attributes {dimension_semantics = [#tpu.dimension_semantics<core_parallel>], iteration_bounds = array<i64: 2>, scalar_prefetch = 0 : i64, scratch_operands = 3 : i64, tpu.core_type = #tpu.core_type<sc_scalar_subcore>, window_params = [{transform_indices = #map}, {transform_indices = #map1}, {transform_indices = #map}]} {
    %mul3A = arith.constant 128 : i32
    %mul3A_0 = arith.muli %arg0, %mul3A : i32
    tpu.enqueue_dma source(%arg2 : memref<256xi32, #tpu.memory_space<hbm>>) target(%arg4 : memref<256xi32, #tpu.memory_space<smem>>) target_semaphore(%arg5 : memref<!tpu.dma_semaphore, #tpu.memory_space<semaphore_mem>>)
    tpu.wait_dma2 semaphore(%arg5 : memref<!tpu.dma_semaphore, #tpu.memory_space<semaphore_mem>>) src(%arg2 : memref<256xi32, #tpu.memory_space<hbm>>) dst(%arg4 : memref<256xi32, #tpu.memory_space<smem>>)
    %scan3A = arith.constant 0 : i32
    %scan3A_1 = arith.constant 128 : i32
    %scan3A_2 = arith.addi %scan3A, %scan3A_1 : i32
    %scan3A_3 = arith.constant 1 : i32
    scf.for %scan3A_9 = %scan3A to %scan3A_2 step %scan3A_3  : i32 {
      %mul3A_10 = arith.constant 1 : i32
      %mul3A_11 = arith.muli %scan3A_9, %mul3A_10 : i32
      %add3A = arith.constant 0 : i32
      %add3A_12 = arith.addi %add3A, %mul3A_11 : i32
      %add3A_13 = arith.addi %mul3A_0, %add3A_12 : i32
      %get3A = arith.index_cast %add3A_13 : i32 to index
      %get3A_14 = memref.load %arg4[%get3A] : memref<256xi32, #tpu.memory_space<smem>>
      %dma_start3A = arith.constant 0 : i32
      %dma_start3A_15 = tpu.memref_slice %arg3[%add3A_13, %dma_start3A] : memref<256x300xf32, #tpu.memory_space<hbm>> -> memref<1x300xf32, #tpu.memory_space<hbm>>
      %dma_start3A_16 = tpu.memref_squeeze %dma_start3A_15 : memref<1x300xf32, #tpu.memory_space<hbm>> -> memref<300xf32, #tpu.memory_space<hbm>>
      %dma_start3A_17 = arith.constant 0 : i32
      %dma_start3A_18 = tpu.memref_slice %arg1[%get3A_14, %dma_start3A_17] : memref<100000x300xf32, #tpu.memory_space<hbm>> -> memref<1x300xf32, #tpu.memory_space<hbm>>
      %dma_start3A_19 = tpu.memref_squeeze %dma_start3A_18 : memref<1x300xf32, #tpu.memory_space<hbm>> -> memref<300xf32, #tpu.memory_space<hbm>>
      tpu.enqueue_dma source(%dma_start3A_19 : memref<300xf32, #tpu.memory_space<hbm>>) target(%dma_start3A_16 : memref<300xf32, #tpu.memory_space<hbm>>) target_semaphore(%arg6 : memref<!tpu.dma_semaphore, #tpu.memory_space<semaphore_mem>>)
    }
    %scan3A_4 = arith.constant 128 : i32
    %dma_wait3A = arith.constant 0 : i32
    %dma_wait3A_5 = tpu.memref_slice %arg3[%mul3A_0, %dma_wait3A] : memref<256x300xf32, #tpu.memory_space<hbm>> -> memref<128x300xf32, #tpu.memory_space<hbm>>
    %dma_wait3A_6 = arith.constant 0 : i32
    %dma_wait3A_7 = arith.constant 0 : i32
    %dma_wait3A_8 = tpu.memref_slice %arg1[%dma_wait3A_6, %dma_wait3A_7] : memref<100000x300xf32, #tpu.memory_space<hbm>> -> memref<128x300xf32, #tpu.memory_space<hbm>>
    tpu.wait_dma2 semaphore(%arg6 : memref<!tpu.dma_semaphore, #tpu.memory_space<semaphore_mem>>) src(%dma_wait3A_8 : memref<128x300xf32, #tpu.memory_space<hbm>>) dst(%dma_wait3A_5 : memref<128x300xf32, #tpu.memory_space<hbm>>)
    return
  }
}

#map = affine_map<(d0) -> (0, 0)>
#map1 = affine_map<(d0) -> (0)>
module attributes {stable_mosaic.version = 14 : i64} {
  func.func @gather_kernel(%arg0: i32, %arg1: memref<100000x300xf32, #tpu.memory_space<hbm>>, %arg2: memref<256xi32, #tpu.memory_space<hbm>>, %arg3: memref<256x300xf32, #tpu.memory_space<hbm>>, %arg4: memref<256xi32, #tpu.memory_space<smem>>, %arg5: memref<!tpu.dma_semaphore, #tpu.memory_space<semaphore_mem>>, %arg6: memref<!tpu.dma_semaphore, #tpu.memory_space<semaphore_mem>>) attributes {dimension_semantics = [#tpu.dimension_semantics<core_parallel>], iteration_bounds = array<i64: 2>, scalar_prefetch = 0 : i64, scratch_operands = 3 : i64, tpu.core_type = #tpu.core_type<sc_scalar_subcore>, window_params = [{transform_indices = #map}, {transform_indices = #map1}, {transform_indices = #map}]} {
    %mul3A = arith.constant 128 : i32
    %mul3A_0 = arith.muli %arg0, %mul3A : i32
    tpu.enqueue_dma source(%arg2 : memref<256xi32, #tpu.memory_space<hbm>>) target(%arg4 : memref<256xi32, #tpu.memory_space<smem>>) target_semaphore(%arg5 : memref<!tpu.dma_semaphore, #tpu.memory_space<semaphore_mem>>)
    tpu.wait_dma2 semaphore(%arg5 : memref<!tpu.dma_semaphore, #tpu.memory_space<semaphore_mem>>) src(%arg2 : memref<256xi32, #tpu.memory_space<hbm>>) dst(%arg4 : memref<256xi32, #tpu.memory_space<smem>>)
    %scan3A = arith.constant 0 : i32
    %scan3A_1 = arith.constant 128 : i32
    %scan3A_2 = arith.addi %scan3A, %scan3A_1 : i32
    %scan3A_3 = arith.constant 1 : i32
    scf.for %scan3A_9 = %scan3A to %scan3A_2 step %scan3A_3  : i32 {
      %mul3A_10 = arith.constant 1 : i32
      %mul3A_11 = arith.muli %scan3A_9, %mul3A_10 : i32
      %add3A = arith.constant 0 : i32
      %add3A_12 = arith.addi %add3A, %mul3A_11 : i32
      %add3A_13 = arith.addi %mul3A_0, %add3A_12 : i32
      %get3A = arith.index_cast %add3A_13 : i32 to index
      %get3A_14 = memref.load %arg4[%get3A] : memref<256xi32, #tpu.memory_space<smem>>
      %dma_start3A = arith.constant 0 : i32
      %dma_start3A_15 = tpu.memref_slice %arg3[%add3A_13, %dma_start3A] : memref<256x300xf32, #tpu.memory_space<hbm>> -> memref<1x300xf32, #tpu.memory_space<hbm>>
      %dma_start3A_16 = tpu.memref_squeeze %dma_start3A_15 : memref<1x300xf32, #tpu.memory_space<hbm>> -> memref<300xf32, #tpu.memory_space<hbm>>
      %dma_start3A_17 = arith.constant 0 : i32
      %dma_start3A_18 = tpu.memref_slice %arg1[%get3A_14, %dma_start3A_17] : memref<100000x300xf32, #tpu.memory_space<hbm>> -> memref<1x300xf32, #tpu.memory_space<hbm>>
      %dma_start3A_19 = tpu.memref_squeeze %dma_start3A_18 : memref<1x300xf32, #tpu.memory_space<hbm>> -> memref<300xf32, #tpu.memory_space<hbm>>
      tpu.enqueue_dma source(%dma_start3A_19 : memref<300xf32, #tpu.memory_space<hbm>>) target(%dma_start3A_16 : memref<300xf32, #tpu.memory_space<hbm>>) target_semaphore(%arg6 : memref<!tpu.dma_semaphore, #tpu.memory_space<semaphore_mem>>)
    }
    %scan3A_4 = arith.constant 128 : i32
    %dma_wait3A = arith.constant 0 : i32
    %dma_wait3A_5 = tpu.memref_slice %arg3[%mul3A_0, %dma_wait3A] : memref<256x300xf32, #tpu.memory_space<hbm>> -> memref<128x300xf32, #tpu.memory_space<hbm>>
    %dma_wait3A_6 = arith.constant 0 : i32
    %dma_wait3A_7 = arith.constant 0 : i32
    %dma_wait3A_8 = tpu.memref_slice %arg1[%dma_wait3A_6, %dma_wait3A_7] : memref<100000x300xf32, #tpu.memory_space<hbm>> -> memref<128x300xf32, #tpu.memory_space<hbm>>
    tpu.wait_dma2 semaphore(%arg6 : memref<!tpu.dma_semaphore, #tpu.memory_space<semaphore_mem>>) src(%dma_wait3A_8 : memref<128x300xf32, #tpu.memory_space<hbm>>) dst(%dma_wait3A_5 : memref<128x300xf32, #tpu.memory_space<hbm>>)
    return
  }
}

#map = affine_map<(d0) -> (0, 0)>
#map1 = affine_map<(d0) -> (0)>
module attributes {stable_mosaic.version = 14 : i64} {
  func.func @gather_kernel(%arg0: i32, %arg1: memref<100000x300xf32, #tpu.memory_space<hbm>>, %arg2: memref<256xi32, #tpu.memory_space<hbm>>, %arg3: memref<256x300xf32, #tpu.memory_space<hbm>>, %arg4: memref<256xi32, #tpu.memory_space<smem>>, %arg5: memref<!tpu.dma_semaphore, #tpu.memory_space<semaphore_mem>>, %arg6: memref<!tpu.dma_semaphore, #tpu.memory_space<semaphore_mem>>) attributes {dimension_semantics = [#tpu.dimension_semantics<core_parallel>], iteration_bounds = array<i64: 2>, scalar_prefetch = 0 : i64, scratch_operands = 3 : i64, tpu.core_type = #tpu.core_type<sc_scalar_subcore>, window_params = [{transform_indices = #map}, {transform_indices = #map1}, {transform_indices = #map}]} {
    %mul3A = arith.constant 128 : i32
    %mul3A_0 = arith.muli %arg0, %mul3A : i32
    tpu.enqueue_dma source(%arg2 : memref<256xi32, #tpu.memory_space<hbm>>) target(%arg4 : memref<256xi32, #tpu.memory_space<smem>>) target_semaphore(%arg5 : memref<!tpu.dma_semaphore, #tpu.memory_space<semaphore_mem>>)
    tpu.wait_dma2 semaphore(%arg5 : memref<!tpu.dma_semaphore, #tpu.memory_space<semaphore_mem>>) src(%arg2 : memref<256xi32, #tpu.memory_space<hbm>>) dst(%arg4 : memref<256xi32, #tpu.memory_space<smem>>)
    %scan3A = arith.constant 0 : i32
    %scan3A_1 = arith.constant 128 : i32
    %scan3A_2 = arith.addi %scan3A, %scan3A_1 : i32
    %scan3A_3 = arith.constant 1 : i32
    scf.for %scan3A_9 = %scan3A to %scan3A_2 step %scan3A_3  : i32 {
      %mul3A_10 = arith.constant 1 : i32
      %mul3A_11 = arith.muli %scan3A_9, %mul3A_10 : i32
      %add3A = arith.constant 0 : i32
      %add3A_12 = arith.addi %add3A, %mul3A_11 : i32
      %add3A_13 = arith.addi %mul3A_0, %add3A_12 : i32
      %get3A = arith.index_cast %add3A_13 : i32 to index
      %get3A_14 = memref.load %arg4[%get3A] : memref<256xi32, #tpu.memory_space<smem>>
      %dma_start3A = arith.constant 0 : i32
      %dma_start3A_15 = tpu.memref_slice %arg3[%add3A_13, %dma_start3A] : memref<256x300xf32, #tpu.memory_space<hbm>> -> memref<1x300xf32, #tpu.memory_space<hbm>>
      %dma_start3A_16 = tpu.memref_squeeze %dma_start3A_15 : memref<1x300xf32, #tpu.memory_space<hbm>> -> memref<300xf32, #tpu.memory_space<hbm>>
      %dma_start3A_17 = arith.constant 0 : i32
      %dma_start3A_18 = tpu.memref_slice %arg1[%get3A_14, %dma_start3A_17] : memref<100000x300xf32, #tpu.memory_space<hbm>> -> memref<1x300xf32, #tpu.memory_space<hbm>>
      %dma_start3A_19 = tpu.memref_squeeze %dma_start3A_18 : memref<1x300xf32, #tpu.memory_space<hbm>> -> memref<300xf32, #tpu.memory_space<hbm>>
      tpu.enqueue_dma source(%dma_start3A_19 : memref<300xf32, #tpu.memory_space<hbm>>) target(%dma_start3A_16 : memref<300xf32, #tpu.memory_space<hbm>>) target_semaphore(%arg6 : memref<!tpu.dma_semaphore, #tpu.memory_space<semaphore_mem>>)
    }
    %scan3A_4 = arith.constant 128 : i32
    %dma_wait3A = arith.constant 0 : i32
    %dma_wait3A_5 = tpu.memref_slice %arg3[%mul3A_0, %dma_wait3A] : memref<256x300xf32, #tpu.memory_space<hbm>> -> memref<128x300xf32, #tpu.memory_space<hbm>>
    %dma_wait3A_6 = arith.constant 0 : i32
    %dma_wait3A_7 = arith.constant 0 : i32
    %dma_wait3A_8 = tpu.memref_slice %arg1[%dma_wait3A_6, %dma_wait3A_7] : memref<100000x300xf32, #tpu.memory_space<hbm>> -> memref<128x300xf32, #tpu.memory_space<hbm>>
    tpu.wait_dma2 semaphore(%arg6 : memref<!tpu.dma_semaphore, #tpu.memory_space<semaphore_mem>>) src(%dma_wait3A_8 : memref<128x300xf32, #tpu.memory_space<hbm>>) dst(%dma_wait3A_5 : memref<128x300xf32, #tpu.memory_space<hbm>>)
    return
  }
}

#map = affine_map<(d0) -> (0, 0)>
#map1 = affine_map<(d0) -> (0)>
module attributes {stable_mosaic.version = 14 : i64} {
  func.func @gather_kernel(%arg0: i32, %arg1: memref<100000x300xf32, #tpu.memory_space<hbm>>, %arg2: memref<256xi32, #tpu.memory_space<hbm>>, %arg3: memref<256x300xf32, #tpu.memory_space<hbm>>, %arg4: memref<256xi32, #tpu.memory_space<smem>>, %arg5: memref<!tpu.dma_semaphore, #tpu.memory_space<semaphore_mem>>, %arg6: memref<!tpu.dma_semaphore, #tpu.memory_space<semaphore_mem>>) attributes {dimension_semantics = [#tpu.dimension_semantics<core_parallel>], iteration_bounds = array<i64: 2>, scalar_prefetch = 0 : i64, scratch_operands = 3 : i64, tpu.core_type = #tpu.core_type<sc_scalar_subcore>, window_params = [{transform_indices = #map}, {transform_indices = #map1}, {transform_indices = #map}]} {
    %mul3A = arith.constant 128 : i32
    %mul3A_0 = arith.muli %arg0, %mul3A : i32
    tpu.enqueue_dma source(%arg2 : memref<256xi32, #tpu.memory_space<hbm>>) target(%arg4 : memref<256xi32, #tpu.memory_space<smem>>) target_semaphore(%arg5 : memref<!tpu.dma_semaphore, #tpu.memory_space<semaphore_mem>>)
    tpu.wait_dma2 semaphore(%arg5 : memref<!tpu.dma_semaphore, #tpu.memory_space<semaphore_mem>>) src(%arg2 : memref<256xi32, #tpu.memory_space<hbm>>) dst(%arg4 : memref<256xi32, #tpu.memory_space<smem>>)
    %scan3A = arith.constant 0 : i32
    %scan3A_1 = arith.constant 128 : i32
    %scan3A_2 = arith.addi %scan3A, %scan3A_1 : i32
    %scan3A_3 = arith.constant 1 : i32
    scf.for %scan3A_9 = %scan3A to %scan3A_2 step %scan3A_3  : i32 {
      %mul3A_10 = arith.constant 1 : i32
      %mul3A_11 = arith.muli %scan3A_9, %mul3A_10 : i32
      %add3A = arith.constant 0 : i32
      %add3A_12 = arith.addi %add3A, %mul3A_11 : i32
      %add3A_13 = arith.addi %mul3A_0, %add3A_12 : i32
      %get3A = arith.index_cast %add3A_13 : i32 to index
      %get3A_14 = memref.load %arg4[%get3A] : memref<256xi32, #tpu.memory_space<smem>>
      %dma_start3A = arith.constant 0 : i32
      %dma_start3A_15 = tpu.memref_slice %arg3[%add3A_13, %dma_start3A] : memref<256x300xf32, #tpu.memory_space<hbm>> -> memref<1x300xf32, #tpu.memory_space<hbm>>
      %dma_start3A_16 = tpu.memref_squeeze %dma_start3A_15 : memref<1x300xf32, #tpu.memory_space<hbm>> -> memref<300xf32, #tpu.memory_space<hbm>>
      %dma_start3A_17 = arith.constant 0 : i32
      %dma_start3A_18 = tpu.memref_slice %arg1[%get3A_14, %dma_start3A_17] : memref<100000x300xf32, #tpu.memory_space<hbm>> -> memref<1x300xf32, #tpu.memory_space<hbm>>
      %dma_start3A_19 = tpu.memref_squeeze %dma_start3A_18 : memref<1x300xf32, #tpu.memory_space<hbm>> -> memref<300xf32, #tpu.memory_space<hbm>>
      tpu.enqueue_dma source(%dma_start3A_19 : memref<300xf32, #tpu.memory_space<hbm>>) target(%dma_start3A_16 : memref<300xf32, #tpu.memory_space<hbm>>) target_semaphore(%arg6 : memref<!tpu.dma_semaphore, #tpu.memory_space<semaphore_mem>>)
    }
    %scan3A_4 = arith.constant 128 : i32
    %dma_wait3A = arith.constant 0 : i32
    %dma_wait3A_5 = tpu.memref_slice %arg3[%mul3A_0, %dma_wait3A] : memref<256x300xf32, #tpu.memory_space<hbm>> -> memref<128x300xf32, #tpu.memory_space<hbm>>
    %dma_wait3A_6 = arith.constant 0 : i32
    %dma_wait3A_7 = arith.constant 0 : i32
    %dma_wait3A_8 = tpu.memref_slice %arg1[%dma_wait3A_6, %dma_wait3A_7] : memref<100000x300xf32, #tpu.memory_space<hbm>> -> memref<128x300xf32, #tpu.memory_space<hbm>>
    tpu.wait_dma2 semaphore(%arg6 : memref<!tpu.dma_semaphore, #tpu.memory_space<semaphore_mem>>) src(%dma_wait3A_8 : memref<128x300xf32, #tpu.memory_space<hbm>>) dst(%dma_wait3A_5 : memref<128x300xf32, #tpu.memory_space<hbm>>)
    return
  }
}

module attributes {stable_mosaic.version = 14 : i64} {
  func.func @_fused_body(%arg0: i32, %arg1: memref<3200x300xf32, #tpu.memory_space<vmem>>, %arg2: memref<256x300xf32, #tpu.memory_space<vmem>>, %arg3: memref<256x100xf32, #tpu.memory_space<vmem>>) attributes {dimension_semantics = [#tpu.dimension_semantics<arbitrary>], iteration_bounds = array<i64: 8>, scalar_prefetch = 0 : i64, scratch_operands = 0 : i64, tpu.core_type = #tpu.core_type<tc>, window_params = [{transform_indices = @transform_0, window_bounds = array<i64: 3200, 300>}, {pipeline_mode = #tpu.pipeline_mode<synchronous>, transform_indices = @transform_1, window_bounds = array<i64: 256, 300>}, {pipeline_mode = #tpu.pipeline_mode<synchronous>, transform_indices = @transform_2, window_bounds = array<i64: 256, 100>}]} {
    %broadcast_in_dim3A = arith.constant 1.000000e+00 : f32
    %broadcast_in_dim3A_0 = vector.broadcast %broadcast_in_dim3A : f32 to vector<1x300xf32>
    %get3A = arith.constant 0 : index
    %get3A_1 = arith.constant 0 : index
    %get3A_2 = vector.load %arg1[%get3A, %get3A_1] : memref<3200x300xf32, #tpu.memory_space<vmem>>, vector<800x300xf32>
    %mul3A = arith.constant 32 : i32
    %mul3A_3 = arith.muli %arg0, %mul3A : i32
    %add3A = arith.constant 0 : i32
    %add3A_4 = arith.addi %mul3A_3, %add3A : i32
    %multiple_of3A = tpu.assume_multiple %add3A_4, 8 : i32
    %get3A_5 = arith.index_cast %multiple_of3A : i32 to index
    %get3A_6 = arith.constant 0 : index
    %get3A_7 = vector.load %arg2[%get3A_5, %get3A_6] : memref<256x300xf32, #tpu.memory_space<vmem>>, vector<8x300xf32>
    %dot_general3A = arith.constant dense<0.000000e+00> : vector<8x800xf32>
    %dot_general3A_8 = tpu.matmul %get3A_7, %get3A_2, %dot_general3A {dimension_numbers = #tpu.dot_dimension_numbers<[1], [1], [0], [0], [0, 0, 1, 0], [], []>, transpose_lhs_hint = false} : vector<8x300xf32>, vector<800x300xf32>, vector<8x800xf32> -> vector<8x800xf32>
    %mul3A_9 = arith.mulf %get3A_2, %get3A_2 : vector<800x300xf32>
    %dot_general3A_10 = arith.constant dense<0.000000e+00> : vector<1x800xf32>
    %dot_general3A_11 = tpu.matmul %broadcast_in_dim3A_0, %mul3A_9, %dot_general3A_10 {dimension_numbers = #tpu.dot_dimension_numbers<[1], [1], [0], [0], [0, 0, 1, 0], [], []>, transpose_lhs_hint = false} : vector<1x300xf32>, vector<800x300xf32>, vector<1x800xf32> -> vector<1x800xf32>
    %max3A = arith.constant 1.000000e-24 : f32
    %max3A_12 = vector.broadcast %max3A : f32 to vector<1x800xf32>
    %max3A_13 = arith.maximumf %dot_general3A_11, %max3A_12 : vector<1x800xf32>
    %rsqrt3A = math.rsqrt %max3A_13 : vector<1x800xf32>
    %mul3A_14 = vector.broadcast %rsqrt3A : vector<1x800xf32> to vector<8x800xf32>
    %mul3A_15 = arith.mulf %dot_general3A_8, %mul3A_14 : vector<8x800xf32>
    %slice3A = vector.extract_strided_slice %mul3A_15 {offsets = [0, 0], sizes = [1, 100], strides = [1, 1]} : vector<8x800xf32> to vector<1x100xf32>
    %add3A_16 = arith.constant 0 : i32
    %add3A_17 = arith.addi %multiple_of3A, %add3A_16 : i32
    %swap3A = arith.index_cast %add3A_17 : i32 to index
    %swap3A_18 = arith.constant 0 : index
    %swap3A_19 = vector.load %arg3[%swap3A, %swap3A_18] : memref<256x100xf32, #tpu.memory_space<vmem>>, vector<1x100xf32>
    tpu.vector_store %arg3[%swap3A, %swap3A_18], %slice3A {strides = array<i32>} : memref<256x100xf32, #tpu.memory_space<vmem>>, vector<1x100xf32>,
    %slice3A_20 = vector.extract_strided_slice %mul3A_15 {offsets = [1, 100], sizes = [1, 100], strides = [1, 1]} : vector<8x800xf32> to vector<1x100xf32>
    %add3A_21 = arith.constant 1 : i32
    %add3A_22 = arith.addi %multiple_of3A, %add3A_21 : i32
    %swap3A_23 = arith.index_cast %add3A_22 : i32 to index
    %swap3A_24 = arith.constant 0 : index
    %swap3A_25 = vector.load %arg3[%swap3A_23, %swap3A_24] : memref<256x100xf32, #tpu.memory_space<vmem>>, vector<1x100xf32>
    tpu.vector_store %arg3[%swap3A_23, %swap3A_24], %slice3A_20 {strides = array<i32>} : memref<256x100xf32, #tpu.memory_space<vmem>>, vector<1x100xf32>,
    %slice3A_26 = vector.extract_strided_slice %mul3A_15 {offsets = [2, 200], sizes = [1, 100], strides = [1, 1]} : vector<8x800xf32> to vector<1x100xf32>
    %add3A_27 = arith.constant 2 : i32
    %add3A_28 = arith.addi %multiple_of3A, %add3A_27 : i32
    %swap3A_29 = arith.index_cast %add3A_28 : i32 to index
    %swap3A_30 = arith.constant 0 : index
    %swap3A_31 = vector.load %arg3[%swap3A_29, %swap3A_30] : memref<256x100xf32, #tpu.memory_space<vmem>>, vector<1x100xf32>
    tpu.vector_store %arg3[%swap3A_29, %swap3A_30], %slice3A_26 {strides = array<i32>} : memref<256x100xf32, #tpu.memory_space<vmem>>, vector<1x100xf32>,
    %slice3A_32 = vector.extract_strided_slice %mul3A_15 {offsets = [3, 300], sizes = [1, 100], strides = [1, 1]} : vector<8x800xf32> to vector<1x100xf32>
    %add3A_33 = arith.constant 3 : i32
    %add3A_34 = arith.addi %multiple_of3A, %add3A_33 : i32
    %swap3A_35 = arith.index_cast %add3A_34 : i32 to index
    %swap3A_36 = arith.constant 0 : index
    %swap3A_37 = vector.load %arg3[%swap3A_35, %swap3A_36] : memref<256x100xf32, #tpu.memory_space<vmem>>, vector<1x100xf32>
    tpu.vector_store %arg3[%swap3A_35, %swap3A_36], %slice3A_32 {strides = array<i32>} : memref<256x100xf32, #tpu.memory_space<vmem>>, vector<1x100xf32>,
    %slice3A_38 = vector.extract_strided_slice %mul3A_15 {offsets = [4, 400], sizes = [1, 100], strides = [1, 1]} : vector<8x800xf32> to vector<1x100xf32>
    %add3A_39 = arith.constant 4 : i32
    %add3A_40 = arith.addi %multiple_of3A, %add3A_39 : i32
    %swap3A_41 = arith.index_cast %add3A_40 : i32 to index
    %swap3A_42 = arith.constant 0 : index
    %swap3A_43 = vector.load %arg3[%swap3A_41, %swap3A_42] : memref<256x100xf32, #tpu.memory_space<vmem>>, vector<1x100xf32>
    tpu.vector_store %arg3[%swap3A_41, %swap3A_42], %slice3A_38 {strides = array<i32>} : memref<256x100xf32, #tpu.memory_space<vmem>>, vector<1x100xf32>,
    %slice3A_44 = vector.extract_strided_slice %mul3A_15 {offsets = [5, 500], sizes = [1, 100], strides = [1, 1]} : vector<8x800xf32> to vector<1x100xf32>
    %add3A_45 = arith.constant 5 : i32
    %add3A_46 = arith.addi %multiple_of3A, %add3A_45 : i32
    %swap3A_47 = arith.index_cast %add3A_46 : i32 to index
    %swap3A_48 = arith.constant 0 : index
    %swap3A_49 = vector.load %arg3[%swap3A_47, %swap3A_48] : memref<256x100xf32, #tpu.memory_space<vmem>>, vector<1x100xf32>
    tpu.vector_store %arg3[%swap3A_47, %swap3A_48], %slice3A_44 {strides = array<i32>} : memref<256x100xf32, #tpu.memory_space<vmem>>, vector<1x100xf32>,
    %slice3A_50 = vector.extract_strided_slice %mul3A_15 {offsets = [6, 600], sizes = [1, 100], strides = [1, 1]} : vector<8x800xf32> to vector<1x100xf32>
    %add3A_51 = arith.constant 6 : i32
    %add3A_52 = arith.addi %multiple_of3A, %add3A_51 : i32
    %swap3A_53 = arith.index_cast %add3A_52 : i32 to index
    %swap3A_54 = arith.constant 0 : index
    %swap3A_55 = vector.load %arg3[%swap3A_53, %swap3A_54] : memref<256x100xf32, #tpu.memory_space<vmem>>, vector<1x100xf32>
    tpu.vector_store %arg3[%swap3A_53, %swap3A_54], %slice3A_50 {strides = array<i32>} : memref<256x100xf32, #tpu.memory_space<vmem>>, vector<1x100xf32>,
    %slice3A_56 = vector.extract_strided_slice %mul3A_15 {offsets = [7, 700], sizes = [1, 100], strides = [1, 1]} : vector<8x800xf32> to vector<1x100xf32>
    %add3A_57 = arith.constant 7 : i32
    %add3A_58 = arith.addi %multiple_of3A, %add3A_57 : i32
    %swap3A_59 = arith.index_cast %add3A_58 : i32 to index
    %swap3A_60 = arith.constant 0 : index
    %swap3A_61 = vector.load %arg3[%swap3A_59, %swap3A_60] : memref<256x100xf32, #tpu.memory_space<vmem>>, vector<1x100xf32>
    tpu.vector_store %arg3[%swap3A_59, %swap3A_60], %slice3A_56 {strides = array<i32>} : memref<256x100xf32, #tpu.memory_space<vmem>>, vector<1x100xf32>,
    %get3A_62 = arith.constant 800 : index
    %get3A_63 = arith.constant 0 : index
    %get3A_64 = vector.load %arg1[%get3A_62, %get3A_63] : memref<3200x300xf32, #tpu.memory_space<vmem>>, vector<800x300xf32>
    %mul3A_65 = arith.constant 32 : i32
    %mul3A_66 = arith.muli %arg0, %mul3A_65 : i32
    %add3A_67 = arith.constant 8 : i32
    %add3A_68 = arith.addi %mul3A_66, %add3A_67 : i32
    %multiple_of3A_69 = tpu.assume_multiple %add3A_68, 8 : i32
    %get3A_70 = arith.index_cast %multiple_of3A_69 : i32 to index
    %get3A_71 = arith.constant 0 : index
    %get3A_72 = vector.load %arg2[%get3A_70, %get3A_71] : memref<256x300xf32, #tpu.memory_space<vmem>>, vector<8x300xf32>
    %dot_general3A_73 = arith.constant dense<0.000000e+00> : vector<8x800xf32>
    %dot_general3A_74 = tpu.matmul %get3A_72, %get3A_64, %dot_general3A_73 {dimension_numbers = #tpu.dot_dimension_numbers<[1], [1], [0], [0], [0, 0, 1, 0], [], []>, transpose_lhs_hint = false} : vector<8x300xf32>, vector<800x300xf32>, vector<8x800xf32> -> vector<8x800xf32>
    %mul3A_75 = arith.mulf %get3A_64, %get3A_64 : vector<800x300xf32>
    %dot_general3A_76 = arith.constant dense<0.000000e+00> : vector<1x800xf32>
    %dot_general3A_77 = tpu.matmul %broadcast_in_dim3A_0, %mul3A_75, %dot_general3A_76 {dimension_numbers = #tpu.dot_dimension_numbers<[1], [1], [0], [0], [0, 0, 1, 0], [], []>, transpose_lhs_hint = false} : vector<1x300xf32>, vector<800x300xf32>, vector<1x800xf32> -> vector<1x800xf32>
    %max3A_78 = arith.constant 1.000000e-24 : f32
    %max3A_79 = vector.broadcast %max3A_78 : f32 to vector<1x800xf32>
    %max3A_80 = arith.maximumf %dot_general3A_77, %max3A_79 : vector<1x800xf32>
    %rsqrt3A_81 = math.rsqrt %max3A_80 : vector<1x800xf32>
    %mul3A_82 = vector.broadcast %rsqrt3A_81 : vector<1x800xf32> to vector<8x800xf32>
    %mul3A_83 = arith.mulf %dot_general3A_74, %mul3A_82 : vector<8x800xf32>
    %slice3A_84 = vector.extract_strided_slice %mul3A_83 {offsets = [0, 0], sizes = [1, 100], strides = [1, 1]} : vector<8x800xf32> to vector<1x100xf32>
    %add3A_85 = arith.constant 0 : i32
    %add3A_86 = arith.addi %multiple_of3A_69, %add3A_85 : i32
    %swap3A_87 = arith.index_cast %add3A_86 : i32 to index
    %swap3A_88 = arith.constant 0 : index
    %swap3A_89 = vector.load %arg3[%swap3A_87, %swap3A_88] : memref<256x100xf32, #tpu.memory_space<vmem>>, vector<1x100xf32>
    tpu.vector_store %arg3[%swap3A_87, %swap3A_88], %slice3A_84 {strides = array<i32>} : memref<256x100xf32, #tpu.memory_space<vmem>>, vector<1x100xf32>,
    %slice3A_90 = vector.extract_strided_slice %mul3A_83 {offsets = [1, 100], sizes = [1, 100], strides = [1, 1]} : vector<8x800xf32> to vector<1x100xf32>
    %add3A_91 = arith.constant 1 : i32
    %add3A_92 = arith.addi %multiple_of3A_69, %add3A_91 : i32
    %swap3A_93 = arith.index_cast %add3A_92 : i32 to index
    %swap3A_94 = arith.constant 0 : index
    %swap3A_95 = vector.load %arg3[%swap3A_93, %swap3A_94] : memref<256x100xf32, #tpu.memory_space<vmem>>, vector<1x100xf32>
    tpu.vector_store %arg3[%swap3A_93, %swap3A_94], %slice3A_90 {strides = array<i32>} : memref<256x100xf32, #tpu.memory_space<vmem>>, vector<1x100xf32>,
    %slice3A_96 = vector.extract_strided_slice %mul3A_83 {offsets = [2, 200], sizes = [1, 100], strides = [1, 1]} : vector<8x800xf32> to vector<1x100xf32>
    %add3A_97 = arith.constant 2 : i32
    %add3A_98 = arith.addi %multiple_of3A_69, %add3A_97 : i32
    %swap3A_99 = arith.index_cast %add3A_98 : i32 to index
    %swap3A_100 = arith.constant 0 : index
    %swap3A_101 = vector.load %arg3[%swap3A_99, %swap3A_100] : memref<256x100xf32, #tpu.memory_space<vmem>>, vector<1x100xf32>
    tpu.vector_store %arg3[%swap3A_99, %swap3A_100], %slice3A_96 {strides = array<i32>} : memref<256x100xf32, #tpu.memory_space<vmem>>, vector<1x100xf32>,
    %slice3A_102 = vector.extract_strided_slice %mul3A_83 {offsets = [3, 300], sizes = [1, 100], strides = [1, 1]} : vector<8x800xf32> to vector<1x100xf32>
    %add3A_103 = arith.constant 3 : i32
    %add3A_104 = arith.addi %multiple_of3A_69, %add3A_103 : i32
    %swap3A_105 = arith.index_cast %add3A_104 : i32 to index
    %swap3A_106 = arith.constant 0 : index
    %swap3A_107 = vector.load %arg3[%swap3A_105, %swap3A_106] : memref<256x100xf32, #tpu.memory_space<vmem>>, vector<1x100xf32>
    tpu.vector_store %arg3[%swap3A_105, %swap3A_106], %slice3A_102 {strides = array<i32>} : memref<256x100xf32, #tpu.memory_space<vmem>>, vector<1x100xf32>,
    %slice3A_108 = vector.extract_strided_slice %mul3A_83 {offsets = [4, 400], sizes = [1, 100], strides = [1, 1]} : vector<8x800xf32> to vector<1x100xf32>
    %add3A_109 = arith.constant 4 : i32
    %add3A_110 = arith.addi %multiple_of3A_69, %add3A_109 : i32
    %swap3A_111 = arith.index_cast %add3A_110 : i32 to index
    %swap3A_112 = arith.constant 0 : index
    %swap3A_113 = vector.load %arg3[%swap3A_111, %swap3A_112] : memref<256x100xf32, #tpu.memory_space<vmem>>, vector<1x100xf32>
    tpu.vector_store %arg3[%swap3A_111, %swap3A_112], %slice3A_108 {strides = array<i32>} : memref<256x100xf32, #tpu.memory_space<vmem>>, vector<1x100xf32>,
    %slice3A_114 = vector.extract_strided_slice %mul3A_83 {offsets = [5, 500], sizes = [1, 100], strides = [1, 1]} : vector<8x800xf32> to vector<1x100xf32>
    %add3A_115 = arith.constant 5 : i32
    %add3A_116 = arith.addi %multiple_of3A_69, %add3A_115 : i32
    %swap3A_117 = arith.index_cast %add3A_116 : i32 to index
    %swap3A_118 = arith.constant 0 : index
    %swap3A_119 = vector.load %arg3[%swap3A_117, %swap3A_118] : memref<256x100xf32, #tpu.memory_space<vmem>>, vector<1x100xf32>
    tpu.vector_store %arg3[%swap3A_117, %swap3A_118], %slice3A_114 {strides = array<i32>} : memref<256x100xf32, #tpu.memory_space<vmem>>, vector<1x100xf32>,
    %slice3A_120 = vector.extract_strided_slice %mul3A_83 {offsets = [6, 600], sizes = [1, 100], strides = [1, 1]} : vector<8x800xf32> to vector<1x100xf32>
    %add3A_121 = arith.constant 6 : i32
    %add3A_122 = arith.addi %multiple_of3A_69, %add3A_121 : i32
    %swap3A_123 = arith.index_cast %add3A_122 : i32 to index
    %swap3A_124 = arith.constant 0 : index
    %swap3A_125 = vector.load %arg3[%swap3A_123, %swap3A_124] : memref<256x100xf32, #tpu.memory_space<vmem>>, vector<1x100xf32>
    tpu.vector_store %arg3[%swap3A_123, %swap3A_124], %slice3A_120 {strides = array<i32>} : memref<256x100xf32, #tpu.memory_space<vmem>>, vector<1x100xf32>,
    %slice3A_126 = vector.extract_strided_slice %mul3A_83 {offsets = [7, 700], sizes = [1, 100], strides = [1, 1]} : vector<8x800xf32> to vector<1x100xf32>
    %add3A_127 = arith.constant 7 : i32
    %add3A_128 = arith.addi %multiple_of3A_69, %add3A_127 : i32
    %swap3A_129 = arith.index_cast %add3A_128 : i32 to index
    %swap3A_130 = arith.constant 0 : index
    %swap3A_131 = vector.load %arg3[%swap3A_129, %swap3A_130] : memref<256x100xf32, #tpu.memory_space<vmem>>, vector<1x100xf32>
    tpu.vector_store %arg3[%swap3A_129, %swap3A_130], %slice3A_126 {strides = array<i32>} : memref<256x100xf32, #tpu.memory_space<vmem>>, vector<1x100xf32>,
    %get3A_132 = arith.constant 1600 : index
    %get3A_133 = arith.constant 0 : index
    %get3A_134 = vector.load %arg1[%get3A_132, %get3A_133] : memref<3200x300xf32, #tpu.memory_space<vmem>>, vector<800x300xf32>
    %mul3A_135 = arith.constant 32 : i32
    %mul3A_136 = arith.muli %arg0, %mul3A_135 : i32
    %add3A_137 = arith.constant 16 : i32
    %add3A_138 = arith.addi %mul3A_136, %add3A_137 : i32
    %multiple_of3A_139 = tpu.assume_multiple %add3A_138, 8 : i32
    %get3A_140 = arith.index_cast %multiple_of3A_139 : i32 to index
    %get3A_141 = arith.constant 0 : index
    %get3A_142 = vector.load %arg2[%get3A_140, %get3A_141] : memref<256x300xf32, #tpu.memory_space<vmem>>, vector<8x300xf32>
    %dot_general3A_143 = arith.constant dense<0.000000e+00> : vector<8x800xf32>
    %dot_general3A_144 = tpu.matmul %get3A_142, %get3A_134, %dot_general3A_143 {dimension_numbers = #tpu.dot_dimension_numbers<[1], [1], [0], [0], [0, 0, 1, 0], [], []>, transpose_lhs_hint = false} : vector<8x300xf32>, vector<800x300xf32>, vector<8x800xf32> -> vector<8x800xf32>
    %mul3A_145 = arith.mulf %get3A_134, %get3A_134 : vector<800x300xf32>
    %dot_general3A_146 = arith.constant dense<0.000000e+00> : vector<1x800xf32>
    %dot_general3A_147 = tpu.matmul %broadcast_in_dim3A_0, %mul3A_145, %dot_general3A_146 {dimension_numbers = #tpu.dot_dimension_numbers<[1], [1], [0], [0], [0, 0, 1, 0], [], []>, transpose_lhs_hint = false} : vector<1x300xf32>, vector<800x300xf32>, vector<1x800xf32> -> vector<1x800xf32>
    %max3A_148 = arith.constant 1.000000e-24 : f32
    %max3A_149 = vector.broadcast %max3A_148 : f32 to vector<1x800xf32>
    %max3A_150 = arith.maximumf %dot_general3A_147, %max3A_149 : vector<1x800xf32>
    %rsqrt3A_151 = math.rsqrt %max3A_150 : vector<1x800xf32>
    %mul3A_152 = vector.broadcast %rsqrt3A_151 : vector<1x800xf32> to vector<8x800xf32>
    %mul3A_153 = arith.mulf %dot_general3A_144, %mul3A_152 : vector<8x800xf32>
    %slice3A_154 = vector.extract_strided_slice %mul3A_153 {offsets = [0, 0], sizes = [1, 100], strides = [1, 1]} : vector<8x800xf32> to vector<1x100xf32>
    %add3A_155 = arith.constant 0 : i32
    %add3A_156 = arith.addi %multiple_of3A_139, %add3A_155 : i32
    %swap3A_157 = arith.index_cast %add3A_156 : i32 to index
    %swap3A_158 = arith.constant 0 : index
    %swap3A_159 = vector.load %arg3[%swap3A_157, %swap3A_158] : memref<256x100xf32, #tpu.memory_space<vmem>>, vector<1x100xf32>
    tpu.vector_store %arg3[%swap3A_157, %swap3A_158], %slice3A_154 {strides = array<i32>} : memref<256x100xf32, #tpu.memory_space<vmem>>, vector<1x100xf32>,
    %slice3A_160 = vector.extract_strided_slice %mul3A_153 {offsets = [1, 100], sizes = [1, 100], strides = [1, 1]} : vector<8x800xf32> to vector<1x100xf32>
    %add3A_161 = arith.constant 1 : i32
    %add3A_162 = arith.addi %multiple_of3A_139, %add3A_161 : i32
    %swap3A_163 = arith.index_cast %add3A_162 : i32 to index
    %swap3A_164 = arith.constant 0 : index
    %swap3A_165 = vector.load %arg3[%swap3A_163, %swap3A_164] : memref<256x100xf32, #tpu.memory_space<vmem>>, vector<1x100xf32>
    tpu.vector_store %arg3[%swap3A_163, %swap3A_164], %slice3A_160 {strides = array<i32>} : memref<256x100xf32, #tpu.memory_space<vmem>>, vector<1x100xf32>,
    %slice3A_166 = vector.extract_strided_slice %mul3A_153 {offsets = [2, 200], sizes = [1, 100], strides = [1, 1]} : vector<8x800xf32> to vector<1x100xf32>
    %add3A_167 = arith.constant 2 : i32
    %add3A_168 = arith.addi %multiple_of3A_139, %add3A_167 : i32
    %swap3A_169 = arith.index_cast %add3A_168 : i32 to index
    %swap3A_170 = arith.constant 0 : index
    %swap3A_171 = vector.load %arg3[%swap3A_169, %swap3A_170] : memref<256x100xf32, #tpu.memory_space<vmem>>, vector<1x100xf32>
    tpu.vector_store %arg3[%swap3A_169, %swap3A_170], %slice3A_166 {strides = array<i32>} : memref<256x100xf32, #tpu.memory_space<vmem>>, vector<1x100xf32>,
    %slice3A_172 = vector.extract_strided_slice %mul3A_153 {offsets = [3, 300], sizes = [1, 100], strides = [1, 1]} : vector<8x800xf32> to vector<1x100xf32>
    %add3A_173 = arith.constant 3 : i32
    %add3A_174 = arith.addi %multiple_of3A_139, %add3A_173 : i32
    %swap3A_175 = arith.index_cast %add3A_174 : i32 to index
    %swap3A_176 = arith.constant 0 : index
    %swap3A_177 = vector.load %arg3[%swap3A_175, %swap3A_176] : memref<256x100xf32, #tpu.memory_space<vmem>>, vector<1x100xf32>
    tpu.vector_store %arg3[%swap3A_175, %swap3A_176], %slice3A_172 {strides = array<i32>} : memref<256x100xf32, #tpu.memory_space<vmem>>, vector<1x100xf32>,
    %slice3A_178 = vector.extract_strided_slice %mul3A_153 {offsets = [4, 400], sizes = [1, 100], strides = [1, 1]} : vector<8x800xf32> to vector<1x100xf32>
    %add3A_179 = arith.constant 4 : i32
    %add3A_180 = arith.addi %multiple_of3A_139, %add3A_179 : i32
    %swap3A_181 = arith.index_cast %add3A_180 : i32 to index
    %swap3A_182 = arith.constant 0 : index
    %swap3A_183 = vector.load %arg3[%swap3A_181, %swap3A_182] : memref<256x100xf32, #tpu.memory_space<vmem>>, vector<1x100xf32>
    tpu.vector_store %arg3[%swap3A_181, %swap3A_182], %slice3A_178 {strides = array<i32>} : memref<256x100xf32, #tpu.memory_space<vmem>>, vector<1x100xf32>,
    %slice3A_184 = vector.extract_strided_slice %mul3A_153 {offsets = [5, 500], sizes = [1, 100], strides = [1, 1]} : vector<8x800xf32> to vector<1x100xf32>
    %add3A_185 = arith.constant 5 : i32
    %add3A_186 = arith.addi %multiple_of3A_139, %add3A_185 : i32
    %swap3A_187 = arith.index_cast %add3A_186 : i32 to index
    %swap3A_188 = arith.constant 0 : index
    %swap3A_189 = vector.load %arg3[%swap3A_187, %swap3A_188] : memref<256x100xf32, #tpu.memory_space<vmem>>, vector<1x100xf32>
    tpu.vector_store %arg3[%swap3A_187, %swap3A_188], %slice3A_184 {strides = array<i32>} : memref<256x100xf32, #tpu.memory_space<vmem>>, vector<1x100xf32>,
    %slice3A_190 = vector.extract_strided_slice %mul3A_153 {offsets = [6, 600], sizes = [1, 100], strides = [1, 1]} : vector<8x800xf32> to vector<1x100xf32>
    %add3A_191 = arith.constant 6 : i32
    %add3A_192 = arith.addi %multiple_of3A_139, %add3A_191 : i32
    %swap3A_193 = arith.index_cast %add3A_192 : i32 to index
    %swap3A_194 = arith.constant 0 : index
    %swap3A_195 = vector.load %arg3[%swap3A_193, %swap3A_194] : memref<256x100xf32, #tpu.memory_space<vmem>>, vector<1x100xf32>
    tpu.vector_store %arg3[%swap3A_193, %swap3A_194], %slice3A_190 {strides = array<i32>} : memref<256x100xf32, #tpu.memory_space<vmem>>, vector<1x100xf32>,
    %slice3A_196 = vector.extract_strided_slice %mul3A_153 {offsets = [7, 700], sizes = [1, 100], strides = [1, 1]} : vector<8x800xf32> to vector<1x100xf32>
    %add3A_197 = arith.constant 7 : i32
    %add3A_198 = arith.addi %multiple_of3A_139, %add3A_197 : i32
    %swap3A_199 = arith.index_cast %add3A_198 : i32 to index
    %swap3A_200 = arith.constant 0 : index
    %swap3A_201 = vector.load %arg3[%swap3A_199, %swap3A_200] : memref<256x100xf32, #tpu.memory_space<vmem>>, vector<1x100xf32>
    tpu.vector_store %arg3[%swap3A_199, %swap3A_200], %slice3A_196 {strides = array<i32>} : memref<256x100xf32, #tpu.memory_space<vmem>>, vector<1x100xf32>,
    %get3A_202 = arith.constant 2400 : index
    %get3A_203 = arith.constant 0 : index
    %get3A_204 = vector.load %arg1[%get3A_202, %get3A_203] : memref<3200x300xf32, #tpu.memory_space<vmem>>, vector<800x300xf32>
    %mul3A_205 = arith.constant 32 : i32
    %mul3A_206 = arith.muli %arg0, %mul3A_205 : i32
    %add3A_207 = arith.constant 24 : i32
    %add3A_208 = arith.addi %mul3A_206, %add3A_207 : i32
    %multiple_of3A_209 = tpu.assume_multiple %add3A_208, 8 : i32
    %get3A_210 = arith.index_cast %multiple_of3A_209 : i32 to index
    %get3A_211 = arith.constant 0 : index
    %get3A_212 = vector.load %arg2[%get3A_210, %get3A_211] : memref<256x300xf32, #tpu.memory_space<vmem>>, vector<8x300xf32>
    %dot_general3A_213 = arith.constant dense<0.000000e+00> : vector<8x800xf32>
    %dot_general3A_214 = tpu.matmul %get3A_212, %get3A_204, %dot_general3A_213 {dimension_numbers = #tpu.dot_dimension_numbers<[1], [1], [0], [0], [0, 0, 1, 0], [], []>, transpose_lhs_hint = false} : vector<8x300xf32>, vector<800x300xf32>, vector<8x800xf32> -> vector<8x800xf32>
    %mul3A_215 = arith.mulf %get3A_204, %get3A_204 : vector<800x300xf32>
    %dot_general3A_216 = arith.constant dense<0.000000e+00> : vector<1x800xf32>
    %dot_general3A_217 = tpu.matmul %broadcast_in_dim3A_0, %mul3A_215, %dot_general3A_216 {dimension_numbers = #tpu.dot_dimension_numbers<[1], [1], [0], [0], [0, 0, 1, 0], [], []>, transpose_lhs_hint = false} : vector<1x300xf32>, vector<800x300xf32>, vector<1x800xf32> -> vector<1x800xf32>
    %max3A_218 = arith.constant 1.000000e-24 : f32
    %max3A_219 = vector.broadcast %max3A_218 : f32 to vector<1x800xf32>
    %max3A_220 = arith.maximumf %dot_general3A_217, %max3A_219 : vector<1x800xf32>
    %rsqrt3A_221 = math.rsqrt %max3A_220 : vector<1x800xf32>
    %mul3A_222 = vector.broadcast %rsqrt3A_221 : vector<1x800xf32> to vector<8x800xf32>
    %mul3A_223 = arith.mulf %dot_general3A_214, %mul3A_222 : vector<8x800xf32>
    %slice3A_224 = vector.extract_strided_slice %mul3A_223 {offsets = [0, 0], sizes = [1, 100], strides = [1, 1]} : vector<8x800xf32> to vector<1x100xf32>
    %add3A_225 = arith.constant 0 : i32
    %add3A_226 = arith.addi %multiple_of3A_209, %add3A_225 : i32
    %swap3A_227 = arith.index_cast %add3A_226 : i32 to index
    %swap3A_228 = arith.constant 0 : index
    %swap3A_229 = vector.load %arg3[%swap3A_227, %swap3A_228] : memref<256x100xf32, #tpu.memory_space<vmem>>, vector<1x100xf32>
    tpu.vector_store %arg3[%swap3A_227, %swap3A_228], %slice3A_224 {strides = array<i32>} : memref<256x100xf32, #tpu.memory_space<vmem>>, vector<1x100xf32>,
    %slice3A_230 = vector.extract_strided_slice %mul3A_223 {offsets = [1, 100], sizes = [1, 100], strides = [1, 1]} : vector<8x800xf32> to vector<1x100xf32>
    %add3A_231 = arith.constant 1 : i32
    %add3A_232 = arith.addi %multiple_of3A_209, %add3A_231 : i32
    %swap3A_233 = arith.index_cast %add3A_232 : i32 to index
    %swap3A_234 = arith.constant 0 : index
    %swap3A_235 = vector.load %arg3[%swap3A_233, %swap3A_234] : memref<256x100xf32, #tpu.memory_space<vmem>>, vector<1x100xf32>
    tpu.vector_store %arg3[%swap3A_233, %swap3A_234], %slice3A_230 {strides = array<i32>} : memref<256x100xf32, #tpu.memory_space<vmem>>, vector<1x100xf32>,
    %slice3A_236 = vector.extract_strided_slice %mul3A_223 {offsets = [2, 200], sizes = [1, 100], strides = [1, 1]} : vector<8x800xf32> to vector<1x100xf32>
    %add3A_237 = arith.constant 2 : i32
    %add3A_238 = arith.addi %multiple_of3A_209, %add3A_237 : i32
    %swap3A_239 = arith.index_cast %add3A_238 : i32 to index
    %swap3A_240 = arith.constant 0 : index
    %swap3A_241 = vector.load %arg3[%swap3A_239, %swap3A_240] : memref<256x100xf32, #tpu.memory_space<vmem>>, vector<1x100xf32>
    tpu.vector_store %arg3[%swap3A_239, %swap3A_240], %slice3A_236 {strides = array<i32>} : memref<256x100xf32, #tpu.memory_space<vmem>>, vector<1x100xf32>,
    %slice3A_242 = vector.extract_strided_slice %mul3A_223 {offsets = [3, 300], sizes = [1, 100], strides = [1, 1]} : vector<8x800xf32> to vector<1x100xf32>
    %add3A_243 = arith.constant 3 : i32
    %add3A_244 = arith.addi %multiple_of3A_209, %add3A_243 : i32
    %swap3A_245 = arith.index_cast %add3A_244 : i32 to index
    %swap3A_246 = arith.constant 0 : index
    %swap3A_247 = vector.load %arg3[%swap3A_245, %swap3A_246] : memref<256x100xf32, #tpu.memory_space<vmem>>, vector<1x100xf32>
    tpu.vector_store %arg3[%swap3A_245, %swap3A_246], %slice3A_242 {strides = array<i32>} : memref<256x100xf32, #tpu.memory_space<vmem>>, vector<1x100xf32>,
    %slice3A_248 = vector.extract_strided_slice %mul3A_223 {offsets = [4, 400], sizes = [1, 100], strides = [1, 1]} : vector<8x800xf32> to vector<1x100xf32>
    %add3A_249 = arith.constant 4 : i32
    %add3A_250 = arith.addi %multiple_of3A_209, %add3A_249 : i32
    %swap3A_251 = arith.index_cast %add3A_250 : i32 to index
    %swap3A_252 = arith.constant 0 : index
    %swap3A_253 = vector.load %arg3[%swap3A_251, %swap3A_252] : memref<256x100xf32, #tpu.memory_space<vmem>>, vector<1x100xf32>
    tpu.vector_store %arg3[%swap3A_251, %swap3A_252], %slice3A_248 {strides = array<i32>} : memref<256x100xf32, #tpu.memory_space<vmem>>, vector<1x100xf32>,
    %slice3A_254 = vector.extract_strided_slice %mul3A_223 {offsets = [5, 500], sizes = [1, 100], strides = [1, 1]} : vector<8x800xf32> to vector<1x100xf32>
    %add3A_255 = arith.constant 5 : i32
    %add3A_256 = arith.addi %multiple_of3A_209, %add3A_255 : i32
    %swap3A_257 = arith.index_cast %add3A_256 : i32 to index
    %swap3A_258 = arith.constant 0 : index
    %swap3A_259 = vector.load %arg3[%swap3A_257, %swap3A_258] : memref<256x100xf32, #tpu.memory_space<vmem>>, vector<1x100xf32>
    tpu.vector_store %arg3[%swap3A_257, %swap3A_258], %slice3A_254 {strides = array<i32>} : memref<256x100xf32, #tpu.memory_space<vmem>>, vector<1x100xf32>,
    %slice3A_260 = vector.extract_strided_slice %mul3A_223 {offsets = [6, 600], sizes = [1, 100], strides = [1, 1]} : vector<8x800xf32> to vector<1x100xf32>
    %add3A_261 = arith.constant 6 : i32
    %add3A_262 = arith.addi %multiple_of3A_209, %add3A_261 : i32
    %swap3A_263 = arith.index_cast %add3A_262 : i32 to index
    %swap3A_264 = arith.constant 0 : index
    %swap3A_265 = vector.load %arg3[%swap3A_263, %swap3A_264] : memref<256x100xf32, #tpu.memory_space<vmem>>, vector<1x100xf32>
    tpu.vector_store %arg3[%swap3A_263, %swap3A_264], %slice3A_260 {strides = array<i32>} : memref<256x100xf32, #tpu.memory_space<vmem>>, vector<1x100xf32>,
    %slice3A_266 = vector.extract_strided_slice %mul3A_223 {offsets = [7, 700], sizes = [1, 100], strides = [1, 1]} : vector<8x800xf32> to vector<1x100xf32>
    %add3A_267 = arith.constant 7 : i32
    %add3A_268 = arith.addi %multiple_of3A_209, %add3A_267 : i32
    %swap3A_269 = arith.index_cast %add3A_268 : i32 to index
    %swap3A_270 = arith.constant 0 : index
    %swap3A_271 = vector.load %arg3[%swap3A_269, %swap3A_270] : memref<256x100xf32, #tpu.memory_space<vmem>>, vector<1x100xf32>
    tpu.vector_store %arg3[%swap3A_269, %swap3A_270], %slice3A_266 {strides = array<i32>} : memref<256x100xf32, #tpu.memory_space<vmem>>, vector<1x100xf32>,
    return
  }
  func.func @transform_0(%arg0: i32) -> (i32, i32) {
    %add3A = arith.constant 24 : i32
    %add3A_0 = arith.addi %add3A, %arg0 : i32
    %c0_i32 = arith.constant 0 : i32
    %c0_i32_1 = arith.constant 0 : i32
    return %add3A_0, %c0_i32 : i32, i32
  }
  func.func @transform_1(%arg0: i32) -> (i32, i32) {
    %c0_i32 = arith.constant 0 : i32
    %c0_i32_0 = arith.constant 0 : i32
    %c0_i32_1 = arith.constant 0 : i32
    return %c0_i32, %c0_i32_0 : i32, i32
  }
  func.func @transform_2(%arg0: i32) -> (i32, i32) {
    %c0_i32 = arith.constant 0 : i32
    %c0_i32_0 = arith.constant 0 : i32
    %c0_i32_1 = arith.constant 0 : i32
    return %c0_i32, %c0_i32_0 : i32, i32
  }
}

module attributes {stable_mosaic.version = 14 : i64} {
  func.func @_fused_body(%arg0: i32, %arg1: memref<3200x300xf32, #tpu.memory_space<vmem>>, %arg2: memref<256x300xf32, #tpu.memory_space<vmem>>, %arg3: memref<256x100xf32, #tpu.memory_space<vmem>>) attributes {dimension_semantics = [#tpu.dimension_semantics<arbitrary>], iteration_bounds = array<i64: 8>, scalar_prefetch = 0 : i64, scratch_operands = 0 : i64, tpu.core_type = #tpu.core_type<tc>, window_params = [{transform_indices = @transform_0, window_bounds = array<i64: 3200, 300>}, {pipeline_mode = #tpu.pipeline_mode<synchronous>, transform_indices = @transform_1, window_bounds = array<i64: 256, 300>}, {pipeline_mode = #tpu.pipeline_mode<synchronous>, transform_indices = @transform_2, window_bounds = array<i64: 256, 100>}]} {
    %broadcast_in_dim3A = arith.constant 1.000000e+00 : f32
    %broadcast_in_dim3A_0 = vector.broadcast %broadcast_in_dim3A : f32 to vector<1x300xf32>
    %get3A = arith.constant 0 : index
    %get3A_1 = arith.constant 0 : index
    %get3A_2 = vector.load %arg1[%get3A, %get3A_1] : memref<3200x300xf32, #tpu.memory_space<vmem>>, vector<800x300xf32>
    %mul3A = arith.constant 32 : i32
    %mul3A_3 = arith.muli %arg0, %mul3A : i32
    %add3A = arith.constant 0 : i32
    %add3A_4 = arith.addi %mul3A_3, %add3A : i32
    %multiple_of3A = tpu.assume_multiple %add3A_4, 8 : i32
    %get3A_5 = arith.index_cast %multiple_of3A : i32 to index
    %get3A_6 = arith.constant 0 : index
    %get3A_7 = vector.load %arg2[%get3A_5, %get3A_6] : memref<256x300xf32, #tpu.memory_space<vmem>>, vector<8x300xf32>
    %dot_general3A = arith.constant dense<0.000000e+00> : vector<8x800xf32>
    %dot_general3A_8 = tpu.matmul %get3A_7, %get3A_2, %dot_general3A {dimension_numbers = #tpu.dot_dimension_numbers<[1], [1], [0], [0], [0, 0, 1, 0], [], []>, transpose_lhs_hint = false} : vector<8x300xf32>, vector<800x300xf32>, vector<8x800xf32> -> vector<8x800xf32>
    %mul3A_9 = arith.mulf %get3A_2, %get3A_2 : vector<800x300xf32>
    %dot_general3A_10 = arith.constant dense<0.000000e+00> : vector<1x800xf32>
    %dot_general3A_11 = tpu.matmul %broadcast_in_dim3A_0, %mul3A_9, %dot_general3A_10 {dimension_numbers = #tpu.dot_dimension_numbers<[1], [1], [0], [0], [0, 0, 1, 0], [], []>, transpose_lhs_hint = false} : vector<1x300xf32>, vector<800x300xf32>, vector<1x800xf32> -> vector<1x800xf32>
    %max3A = arith.constant 1.000000e-24 : f32
    %max3A_12 = vector.broadcast %max3A : f32 to vector<1x800xf32>
    %max3A_13 = arith.maximumf %dot_general3A_11, %max3A_12 : vector<1x800xf32>
    %rsqrt3A = math.rsqrt %max3A_13 : vector<1x800xf32>
    %mul3A_14 = vector.broadcast %rsqrt3A : vector<1x800xf32> to vector<8x800xf32>
    %mul3A_15 = arith.mulf %dot_general3A_8, %mul3A_14 : vector<8x800xf32>
    %slice3A = vector.extract_strided_slice %mul3A_15 {offsets = [0, 0], sizes = [1, 100], strides = [1, 1]} : vector<8x800xf32> to vector<1x100xf32>
    %add3A_16 = arith.constant 0 : i32
    %add3A_17 = arith.addi %multiple_of3A, %add3A_16 : i32
    %swap3A = arith.index_cast %add3A_17 : i32 to index
    %swap3A_18 = arith.constant 0 : index
    %swap3A_19 = vector.load %arg3[%swap3A, %swap3A_18] : memref<256x100xf32, #tpu.memory_space<vmem>>, vector<1x100xf32>
    tpu.vector_store %arg3[%swap3A, %swap3A_18], %slice3A {strides = array<i32>} : memref<256x100xf32, #tpu.memory_space<vmem>>, vector<1x100xf32>,
    %slice3A_20 = vector.extract_strided_slice %mul3A_15 {offsets = [1, 100], sizes = [1, 100], strides = [1, 1]} : vector<8x800xf32> to vector<1x100xf32>
    %add3A_21 = arith.constant 1 : i32
    %add3A_22 = arith.addi %multiple_of3A, %add3A_21 : i32
    %swap3A_23 = arith.index_cast %add3A_22 : i32 to index
    %swap3A_24 = arith.constant 0 : index
    %swap3A_25 = vector.load %arg3[%swap3A_23, %swap3A_24] : memref<256x100xf32, #tpu.memory_space<vmem>>, vector<1x100xf32>
    tpu.vector_store %arg3[%swap3A_23, %swap3A_24], %slice3A_20 {strides = array<i32>} : memref<256x100xf32, #tpu.memory_space<vmem>>, vector<1x100xf32>,
    %slice3A_26 = vector.extract_strided_slice %mul3A_15 {offsets = [2, 200], sizes = [1, 100], strides = [1, 1]} : vector<8x800xf32> to vector<1x100xf32>
    %add3A_27 = arith.constant 2 : i32
    %add3A_28 = arith.addi %multiple_of3A, %add3A_27 : i32
    %swap3A_29 = arith.index_cast %add3A_28 : i32 to index
    %swap3A_30 = arith.constant 0 : index
    %swap3A_31 = vector.load %arg3[%swap3A_29, %swap3A_30] : memref<256x100xf32, #tpu.memory_space<vmem>>, vector<1x100xf32>
    tpu.vector_store %arg3[%swap3A_29, %swap3A_30], %slice3A_26 {strides = array<i32>} : memref<256x100xf32, #tpu.memory_space<vmem>>, vector<1x100xf32>,
    %slice3A_32 = vector.extract_strided_slice %mul3A_15 {offsets = [3, 300], sizes = [1, 100], strides = [1, 1]} : vector<8x800xf32> to vector<1x100xf32>
    %add3A_33 = arith.constant 3 : i32
    %add3A_34 = arith.addi %multiple_of3A, %add3A_33 : i32
    %swap3A_35 = arith.index_cast %add3A_34 : i32 to index
    %swap3A_36 = arith.constant 0 : index
    %swap3A_37 = vector.load %arg3[%swap3A_35, %swap3A_36] : memref<256x100xf32, #tpu.memory_space<vmem>>, vector<1x100xf32>
    tpu.vector_store %arg3[%swap3A_35, %swap3A_36], %slice3A_32 {strides = array<i32>} : memref<256x100xf32, #tpu.memory_space<vmem>>, vector<1x100xf32>,
    %slice3A_38 = vector.extract_strided_slice %mul3A_15 {offsets = [4, 400], sizes = [1, 100], strides = [1, 1]} : vector<8x800xf32> to vector<1x100xf32>
    %add3A_39 = arith.constant 4 : i32
    %add3A_40 = arith.addi %multiple_of3A, %add3A_39 : i32
    %swap3A_41 = arith.index_cast %add3A_40 : i32 to index
    %swap3A_42 = arith.constant 0 : index
    %swap3A_43 = vector.load %arg3[%swap3A_41, %swap3A_42] : memref<256x100xf32, #tpu.memory_space<vmem>>, vector<1x100xf32>
    tpu.vector_store %arg3[%swap3A_41, %swap3A_42], %slice3A_38 {strides = array<i32>} : memref<256x100xf32, #tpu.memory_space<vmem>>, vector<1x100xf32>,
    %slice3A_44 = vector.extract_strided_slice %mul3A_15 {offsets = [5, 500], sizes = [1, 100], strides = [1, 1]} : vector<8x800xf32> to vector<1x100xf32>
    %add3A_45 = arith.constant 5 : i32
    %add3A_46 = arith.addi %multiple_of3A, %add3A_45 : i32
    %swap3A_47 = arith.index_cast %add3A_46 : i32 to index
    %swap3A_48 = arith.constant 0 : index
    %swap3A_49 = vector.load %arg3[%swap3A_47, %swap3A_48] : memref<256x100xf32, #tpu.memory_space<vmem>>, vector<1x100xf32>
    tpu.vector_store %arg3[%swap3A_47, %swap3A_48], %slice3A_44 {strides = array<i32>} : memref<256x100xf32, #tpu.memory_space<vmem>>, vector<1x100xf32>,
    %slice3A_50 = vector.extract_strided_slice %mul3A_15 {offsets = [6, 600], sizes = [1, 100], strides = [1, 1]} : vector<8x800xf32> to vector<1x100xf32>
    %add3A_51 = arith.constant 6 : i32
    %add3A_52 = arith.addi %multiple_of3A, %add3A_51 : i32
    %swap3A_53 = arith.index_cast %add3A_52 : i32 to index
    %swap3A_54 = arith.constant 0 : index
    %swap3A_55 = vector.load %arg3[%swap3A_53, %swap3A_54] : memref<256x100xf32, #tpu.memory_space<vmem>>, vector<1x100xf32>
    tpu.vector_store %arg3[%swap3A_53, %swap3A_54], %slice3A_50 {strides = array<i32>} : memref<256x100xf32, #tpu.memory_space<vmem>>, vector<1x100xf32>,
    %slice3A_56 = vector.extract_strided_slice %mul3A_15 {offsets = [7, 700], sizes = [1, 100], strides = [1, 1]} : vector<8x800xf32> to vector<1x100xf32>
    %add3A_57 = arith.constant 7 : i32
    %add3A_58 = arith.addi %multiple_of3A, %add3A_57 : i32
    %swap3A_59 = arith.index_cast %add3A_58 : i32 to index
    %swap3A_60 = arith.constant 0 : index
    %swap3A_61 = vector.load %arg3[%swap3A_59, %swap3A_60] : memref<256x100xf32, #tpu.memory_space<vmem>>, vector<1x100xf32>
    tpu.vector_store %arg3[%swap3A_59, %swap3A_60], %slice3A_56 {strides = array<i32>} : memref<256x100xf32, #tpu.memory_space<vmem>>, vector<1x100xf32>,
    %get3A_62 = arith.constant 800 : index
    %get3A_63 = arith.constant 0 : index
    %get3A_64 = vector.load %arg1[%get3A_62, %get3A_63] : memref<3200x300xf32, #tpu.memory_space<vmem>>, vector<800x300xf32>
    %mul3A_65 = arith.constant 32 : i32
    %mul3A_66 = arith.muli %arg0, %mul3A_65 : i32
    %add3A_67 = arith.constant 8 : i32
    %add3A_68 = arith.addi %mul3A_66, %add3A_67 : i32
    %multiple_of3A_69 = tpu.assume_multiple %add3A_68, 8 : i32
    %get3A_70 = arith.index_cast %multiple_of3A_69 : i32 to index
    %get3A_71 = arith.constant 0 : index
    %get3A_72 = vector.load %arg2[%get3A_70, %get3A_71] : memref<256x300xf32, #tpu.memory_space<vmem>>, vector<8x300xf32>
    %dot_general3A_73 = arith.constant dense<0.000000e+00> : vector<8x800xf32>
    %dot_general3A_74 = tpu.matmul %get3A_72, %get3A_64, %dot_general3A_73 {dimension_numbers = #tpu.dot_dimension_numbers<[1], [1], [0], [0], [0, 0, 1, 0], [], []>, transpose_lhs_hint = false} : vector<8x300xf32>, vector<800x300xf32>, vector<8x800xf32> -> vector<8x800xf32>
    %mul3A_75 = arith.mulf %get3A_64, %get3A_64 : vector<800x300xf32>
    %dot_general3A_76 = arith.constant dense<0.000000e+00> : vector<1x800xf32>
    %dot_general3A_77 = tpu.matmul %broadcast_in_dim3A_0, %mul3A_75, %dot_general3A_76 {dimension_numbers = #tpu.dot_dimension_numbers<[1], [1], [0], [0], [0, 0, 1, 0], [], []>, transpose_lhs_hint = false} : vector<1x300xf32>, vector<800x300xf32>, vector<1x800xf32> -> vector<1x800xf32>
    %max3A_78 = arith.constant 1.000000e-24 : f32
    %max3A_79 = vector.broadcast %max3A_78 : f32 to vector<1x800xf32>
    %max3A_80 = arith.maximumf %dot_general3A_77, %max3A_79 : vector<1x800xf32>
    %rsqrt3A_81 = math.rsqrt %max3A_80 : vector<1x800xf32>
    %mul3A_82 = vector.broadcast %rsqrt3A_81 : vector<1x800xf32> to vector<8x800xf32>
    %mul3A_83 = arith.mulf %dot_general3A_74, %mul3A_82 : vector<8x800xf32>
    %slice3A_84 = vector.extract_strided_slice %mul3A_83 {offsets = [0, 0], sizes = [1, 100], strides = [1, 1]} : vector<8x800xf32> to vector<1x100xf32>
    %add3A_85 = arith.constant 0 : i32
    %add3A_86 = arith.addi %multiple_of3A_69, %add3A_85 : i32
    %swap3A_87 = arith.index_cast %add3A_86 : i32 to index
    %swap3A_88 = arith.constant 0 : index
    %swap3A_89 = vector.load %arg3[%swap3A_87, %swap3A_88] : memref<256x100xf32, #tpu.memory_space<vmem>>, vector<1x100xf32>
    tpu.vector_store %arg3[%swap3A_87, %swap3A_88], %slice3A_84 {strides = array<i32>} : memref<256x100xf32, #tpu.memory_space<vmem>>, vector<1x100xf32>,
    %slice3A_90 = vector.extract_strided_slice %mul3A_83 {offsets = [1, 100], sizes = [1, 100], strides = [1, 1]} : vector<8x800xf32> to vector<1x100xf32>
    %add3A_91 = arith.constant 1 : i32
    %add3A_92 = arith.addi %multiple_of3A_69, %add3A_91 : i32
    %swap3A_93 = arith.index_cast %add3A_92 : i32 to index
    %swap3A_94 = arith.constant 0 : index
    %swap3A_95 = vector.load %arg3[%swap3A_93, %swap3A_94] : memref<256x100xf32, #tpu.memory_space<vmem>>, vector<1x100xf32>
    tpu.vector_store %arg3[%swap3A_93, %swap3A_94], %slice3A_90 {strides = array<i32>} : memref<256x100xf32, #tpu.memory_space<vmem>>, vector<1x100xf32>,
    %slice3A_96 = vector.extract_strided_slice %mul3A_83 {offsets = [2, 200], sizes = [1, 100], strides = [1, 1]} : vector<8x800xf32> to vector<1x100xf32>
    %add3A_97 = arith.constant 2 : i32
    %add3A_98 = arith.addi %multiple_of3A_69, %add3A_97 : i32
    %swap3A_99 = arith.index_cast %add3A_98 : i32 to index
    %swap3A_100 = arith.constant 0 : index
    %swap3A_101 = vector.load %arg3[%swap3A_99, %swap3A_100] : memref<256x100xf32, #tpu.memory_space<vmem>>, vector<1x100xf32>
    tpu.vector_store %arg3[%swap3A_99, %swap3A_100], %slice3A_96 {strides = array<i32>} : memref<256x100xf32, #tpu.memory_space<vmem>>, vector<1x100xf32>,
    %slice3A_102 = vector.extract_strided_slice %mul3A_83 {offsets = [3, 300], sizes = [1, 100], strides = [1, 1]} : vector<8x800xf32> to vector<1x100xf32>
    %add3A_103 = arith.constant 3 : i32
    %add3A_104 = arith.addi %multiple_of3A_69, %add3A_103 : i32
    %swap3A_105 = arith.index_cast %add3A_104 : i32 to index
    %swap3A_106 = arith.constant 0 : index
    %swap3A_107 = vector.load %arg3[%swap3A_105, %swap3A_106] : memref<256x100xf32, #tpu.memory_space<vmem>>, vector<1x100xf32>
    tpu.vector_store %arg3[%swap3A_105, %swap3A_106], %slice3A_102 {strides = array<i32>} : memref<256x100xf32, #tpu.memory_space<vmem>>, vector<1x100xf32>,
    %slice3A_108 = vector.extract_strided_slice %mul3A_83 {offsets = [4, 400], sizes = [1, 100], strides = [1, 1]} : vector<8x800xf32> to vector<1x100xf32>
    %add3A_109 = arith.constant 4 : i32
    %add3A_110 = arith.addi %multiple_of3A_69, %add3A_109 : i32
    %swap3A_111 = arith.index_cast %add3A_110 : i32 to index
    %swap3A_112 = arith.constant 0 : index
    %swap3A_113 = vector.load %arg3[%swap3A_111, %swap3A_112] : memref<256x100xf32, #tpu.memory_space<vmem>>, vector<1x100xf32>
    tpu.vector_store %arg3[%swap3A_111, %swap3A_112], %slice3A_108 {strides = array<i32>} : memref<256x100xf32, #tpu.memory_space<vmem>>, vector<1x100xf32>,
    %slice3A_114 = vector.extract_strided_slice %mul3A_83 {offsets = [5, 500], sizes = [1, 100], strides = [1, 1]} : vector<8x800xf32> to vector<1x100xf32>
    %add3A_115 = arith.constant 5 : i32
    %add3A_116 = arith.addi %multiple_of3A_69, %add3A_115 : i32
    %swap3A_117 = arith.index_cast %add3A_116 : i32 to index
    %swap3A_118 = arith.constant 0 : index
    %swap3A_119 = vector.load %arg3[%swap3A_117, %swap3A_118] : memref<256x100xf32, #tpu.memory_space<vmem>>, vector<1x100xf32>
    tpu.vector_store %arg3[%swap3A_117, %swap3A_118], %slice3A_114 {strides = array<i32>} : memref<256x100xf32, #tpu.memory_space<vmem>>, vector<1x100xf32>,
    %slice3A_120 = vector.extract_strided_slice %mul3A_83 {offsets = [6, 600], sizes = [1, 100], strides = [1, 1]} : vector<8x800xf32> to vector<1x100xf32>
    %add3A_121 = arith.constant 6 : i32
    %add3A_122 = arith.addi %multiple_of3A_69, %add3A_121 : i32
    %swap3A_123 = arith.index_cast %add3A_122 : i32 to index
    %swap3A_124 = arith.constant 0 : index
    %swap3A_125 = vector.load %arg3[%swap3A_123, %swap3A_124] : memref<256x100xf32, #tpu.memory_space<vmem>>, vector<1x100xf32>
    tpu.vector_store %arg3[%swap3A_123, %swap3A_124], %slice3A_120 {strides = array<i32>} : memref<256x100xf32, #tpu.memory_space<vmem>>, vector<1x100xf32>,
    %slice3A_126 = vector.extract_strided_slice %mul3A_83 {offsets = [7, 700], sizes = [1, 100], strides = [1, 1]} : vector<8x800xf32> to vector<1x100xf32>
    %add3A_127 = arith.constant 7 : i32
    %add3A_128 = arith.addi %multiple_of3A_69, %add3A_127 : i32
    %swap3A_129 = arith.index_cast %add3A_128 : i32 to index
    %swap3A_130 = arith.constant 0 : index
    %swap3A_131 = vector.load %arg3[%swap3A_129, %swap3A_130] : memref<256x100xf32, #tpu.memory_space<vmem>>, vector<1x100xf32>
    tpu.vector_store %arg3[%swap3A_129, %swap3A_130], %slice3A_126 {strides = array<i32>} : memref<256x100xf32, #tpu.memory_space<vmem>>, vector<1x100xf32>,
    %get3A_132 = arith.constant 1600 : index
    %get3A_133 = arith.constant 0 : index
    %get3A_134 = vector.load %arg1[%get3A_132, %get3A_133] : memref<3200x300xf32, #tpu.memory_space<vmem>>, vector<800x300xf32>
    %mul3A_135 = arith.constant 32 : i32
    %mul3A_136 = arith.muli %arg0, %mul3A_135 : i32
    %add3A_137 = arith.constant 16 : i32
    %add3A_138 = arith.addi %mul3A_136, %add3A_137 : i32
    %multiple_of3A_139 = tpu.assume_multiple %add3A_138, 8 : i32
    %get3A_140 = arith.index_cast %multiple_of3A_139 : i32 to index
    %get3A_141 = arith.constant 0 : index
    %get3A_142 = vector.load %arg2[%get3A_140, %get3A_141] : memref<256x300xf32, #tpu.memory_space<vmem>>, vector<8x300xf32>
    %dot_general3A_143 = arith.constant dense<0.000000e+00> : vector<8x800xf32>
    %dot_general3A_144 = tpu.matmul %get3A_142, %get3A_134, %dot_general3A_143 {dimension_numbers = #tpu.dot_dimension_numbers<[1], [1], [0], [0], [0, 0, 1, 0], [], []>, transpose_lhs_hint = false} : vector<8x300xf32>, vector<800x300xf32>, vector<8x800xf32> -> vector<8x800xf32>
    %mul3A_145 = arith.mulf %get3A_134, %get3A_134 : vector<800x300xf32>
    %dot_general3A_146 = arith.constant dense<0.000000e+00> : vector<1x800xf32>
    %dot_general3A_147 = tpu.matmul %broadcast_in_dim3A_0, %mul3A_145, %dot_general3A_146 {dimension_numbers = #tpu.dot_dimension_numbers<[1], [1], [0], [0], [0, 0, 1, 0], [], []>, transpose_lhs_hint = false} : vector<1x300xf32>, vector<800x300xf32>, vector<1x800xf32> -> vector<1x800xf32>
    %max3A_148 = arith.constant 1.000000e-24 : f32
    %max3A_149 = vector.broadcast %max3A_148 : f32 to vector<1x800xf32>
    %max3A_150 = arith.maximumf %dot_general3A_147, %max3A_149 : vector<1x800xf32>
    %rsqrt3A_151 = math.rsqrt %max3A_150 : vector<1x800xf32>
    %mul3A_152 = vector.broadcast %rsqrt3A_151 : vector<1x800xf32> to vector<8x800xf32>
    %mul3A_153 = arith.mulf %dot_general3A_144, %mul3A_152 : vector<8x800xf32>
    %slice3A_154 = vector.extract_strided_slice %mul3A_153 {offsets = [0, 0], sizes = [1, 100], strides = [1, 1]} : vector<8x800xf32> to vector<1x100xf32>
    %add3A_155 = arith.constant 0 : i32
    %add3A_156 = arith.addi %multiple_of3A_139, %add3A_155 : i32
    %swap3A_157 = arith.index_cast %add3A_156 : i32 to index
    %swap3A_158 = arith.constant 0 : index
    %swap3A_159 = vector.load %arg3[%swap3A_157, %swap3A_158] : memref<256x100xf32, #tpu.memory_space<vmem>>, vector<1x100xf32>
    tpu.vector_store %arg3[%swap3A_157, %swap3A_158], %slice3A_154 {strides = array<i32>} : memref<256x100xf32, #tpu.memory_space<vmem>>, vector<1x100xf32>,
    %slice3A_160 = vector.extract_strided_slice %mul3A_153 {offsets = [1, 100], sizes = [1, 100], strides = [1, 1]} : vector<8x800xf32> to vector<1x100xf32>
    %add3A_161 = arith.constant 1 : i32
    %add3A_162 = arith.addi %multiple_of3A_139, %add3A_161 : i32
    %swap3A_163 = arith.index_cast %add3A_162 : i32 to index
    %swap3A_164 = arith.constant 0 : index
    %swap3A_165 = vector.load %arg3[%swap3A_163, %swap3A_164] : memref<256x100xf32, #tpu.memory_space<vmem>>, vector<1x100xf32>
    tpu.vector_store %arg3[%swap3A_163, %swap3A_164], %slice3A_160 {strides = array<i32>} : memref<256x100xf32, #tpu.memory_space<vmem>>, vector<1x100xf32>,
    %slice3A_166 = vector.extract_strided_slice %mul3A_153 {offsets = [2, 200], sizes = [1, 100], strides = [1, 1]} : vector<8x800xf32> to vector<1x100xf32>
    %add3A_167 = arith.constant 2 : i32
    %add3A_168 = arith.addi %multiple_of3A_139, %add3A_167 : i32
    %swap3A_169 = arith.index_cast %add3A_168 : i32 to index
    %swap3A_170 = arith.constant 0 : index
    %swap3A_171 = vector.load %arg3[%swap3A_169, %swap3A_170] : memref<256x100xf32, #tpu.memory_space<vmem>>, vector<1x100xf32>
    tpu.vector_store %arg3[%swap3A_169, %swap3A_170], %slice3A_166 {strides = array<i32>} : memref<256x100xf32, #tpu.memory_space<vmem>>, vector<1x100xf32>,
    %slice3A_172 = vector.extract_strided_slice %mul3A_153 {offsets = [3, 300], sizes = [1, 100], strides = [1, 1]} : vector<8x800xf32> to vector<1x100xf32>
    %add3A_173 = arith.constant 3 : i32
    %add3A_174 = arith.addi %multiple_of3A_139, %add3A_173 : i32
    %swap3A_175 = arith.index_cast %add3A_174 : i32 to index
    %swap3A_176 = arith.constant 0 : index
    %swap3A_177 = vector.load %arg3[%swap3A_175, %swap3A_176] : memref<256x100xf32, #tpu.memory_space<vmem>>, vector<1x100xf32>
    tpu.vector_store %arg3[%swap3A_175, %swap3A_176], %slice3A_172 {strides = array<i32>} : memref<256x100xf32, #tpu.memory_space<vmem>>, vector<1x100xf32>,
    %slice3A_178 = vector.extract_strided_slice %mul3A_153 {offsets = [4, 400], sizes = [1, 100], strides = [1, 1]} : vector<8x800xf32> to vector<1x100xf32>
    %add3A_179 = arith.constant 4 : i32
    %add3A_180 = arith.addi %multiple_of3A_139, %add3A_179 : i32
    %swap3A_181 = arith.index_cast %add3A_180 : i32 to index
    %swap3A_182 = arith.constant 0 : index
    %swap3A_183 = vector.load %arg3[%swap3A_181, %swap3A_182] : memref<256x100xf32, #tpu.memory_space<vmem>>, vector<1x100xf32>
    tpu.vector_store %arg3[%swap3A_181, %swap3A_182], %slice3A_178 {strides = array<i32>} : memref<256x100xf32, #tpu.memory_space<vmem>>, vector<1x100xf32>,
    %slice3A_184 = vector.extract_strided_slice %mul3A_153 {offsets = [5, 500], sizes = [1, 100], strides = [1, 1]} : vector<8x800xf32> to vector<1x100xf32>
    %add3A_185 = arith.constant 5 : i32
    %add3A_186 = arith.addi %multiple_of3A_139, %add3A_185 : i32
    %swap3A_187 = arith.index_cast %add3A_186 : i32 to index
    %swap3A_188 = arith.constant 0 : index
    %swap3A_189 = vector.load %arg3[%swap3A_187, %swap3A_188] : memref<256x100xf32, #tpu.memory_space<vmem>>, vector<1x100xf32>
    tpu.vector_store %arg3[%swap3A_187, %swap3A_188], %slice3A_184 {strides = array<i32>} : memref<256x100xf32, #tpu.memory_space<vmem>>, vector<1x100xf32>,
    %slice3A_190 = vector.extract_strided_slice %mul3A_153 {offsets = [6, 600], sizes = [1, 100], strides = [1, 1]} : vector<8x800xf32> to vector<1x100xf32>
    %add3A_191 = arith.constant 6 : i32
    %add3A_192 = arith.addi %multiple_of3A_139, %add3A_191 : i32
    %swap3A_193 = arith.index_cast %add3A_192 : i32 to index
    %swap3A_194 = arith.constant 0 : index
    %swap3A_195 = vector.load %arg3[%swap3A_193, %swap3A_194] : memref<256x100xf32, #tpu.memory_space<vmem>>, vector<1x100xf32>
    tpu.vector_store %arg3[%swap3A_193, %swap3A_194], %slice3A_190 {strides = array<i32>} : memref<256x100xf32, #tpu.memory_space<vmem>>, vector<1x100xf32>,
    %slice3A_196 = vector.extract_strided_slice %mul3A_153 {offsets = [7, 700], sizes = [1, 100], strides = [1, 1]} : vector<8x800xf32> to vector<1x100xf32>
    %add3A_197 = arith.constant 7 : i32
    %add3A_198 = arith.addi %multiple_of3A_139, %add3A_197 : i32
    %swap3A_199 = arith.index_cast %add3A_198 : i32 to index
    %swap3A_200 = arith.constant 0 : index
    %swap3A_201 = vector.load %arg3[%swap3A_199, %swap3A_200] : memref<256x100xf32, #tpu.memory_space<vmem>>, vector<1x100xf32>
    tpu.vector_store %arg3[%swap3A_199, %swap3A_200], %slice3A_196 {strides = array<i32>} : memref<256x100xf32, #tpu.memory_space<vmem>>, vector<1x100xf32>,
    %get3A_202 = arith.constant 2400 : index
    %get3A_203 = arith.constant 0 : index
    %get3A_204 = vector.load %arg1[%get3A_202, %get3A_203] : memref<3200x300xf32, #tpu.memory_space<vmem>>, vector<800x300xf32>
    %mul3A_205 = arith.constant 32 : i32
    %mul3A_206 = arith.muli %arg0, %mul3A_205 : i32
    %add3A_207 = arith.constant 24 : i32
    %add3A_208 = arith.addi %mul3A_206, %add3A_207 : i32
    %multiple_of3A_209 = tpu.assume_multiple %add3A_208, 8 : i32
    %get3A_210 = arith.index_cast %multiple_of3A_209 : i32 to index
    %get3A_211 = arith.constant 0 : index
    %get3A_212 = vector.load %arg2[%get3A_210, %get3A_211] : memref<256x300xf32, #tpu.memory_space<vmem>>, vector<8x300xf32>
    %dot_general3A_213 = arith.constant dense<0.000000e+00> : vector<8x800xf32>
    %dot_general3A_214 = tpu.matmul %get3A_212, %get3A_204, %dot_general3A_213 {dimension_numbers = #tpu.dot_dimension_numbers<[1], [1], [0], [0], [0, 0, 1, 0], [], []>, transpose_lhs_hint = false} : vector<8x300xf32>, vector<800x300xf32>, vector<8x800xf32> -> vector<8x800xf32>
    %mul3A_215 = arith.mulf %get3A_204, %get3A_204 : vector<800x300xf32>
    %dot_general3A_216 = arith.constant dense<0.000000e+00> : vector<1x800xf32>
    %dot_general3A_217 = tpu.matmul %broadcast_in_dim3A_0, %mul3A_215, %dot_general3A_216 {dimension_numbers = #tpu.dot_dimension_numbers<[1], [1], [0], [0], [0, 0, 1, 0], [], []>, transpose_lhs_hint = false} : vector<1x300xf32>, vector<800x300xf32>, vector<1x800xf32> -> vector<1x800xf32>
    %max3A_218 = arith.constant 1.000000e-24 : f32
    %max3A_219 = vector.broadcast %max3A_218 : f32 to vector<1x800xf32>
    %max3A_220 = arith.maximumf %dot_general3A_217, %max3A_219 : vector<1x800xf32>
    %rsqrt3A_221 = math.rsqrt %max3A_220 : vector<1x800xf32>
    %mul3A_222 = vector.broadcast %rsqrt3A_221 : vector<1x800xf32> to vector<8x800xf32>
    %mul3A_223 = arith.mulf %dot_general3A_214, %mul3A_222 : vector<8x800xf32>
    %slice3A_224 = vector.extract_strided_slice %mul3A_223 {offsets = [0, 0], sizes = [1, 100], strides = [1, 1]} : vector<8x800xf32> to vector<1x100xf32>
    %add3A_225 = arith.constant 0 : i32
    %add3A_226 = arith.addi %multiple_of3A_209, %add3A_225 : i32
    %swap3A_227 = arith.index_cast %add3A_226 : i32 to index
    %swap3A_228 = arith.constant 0 : index
    %swap3A_229 = vector.load %arg3[%swap3A_227, %swap3A_228] : memref<256x100xf32, #tpu.memory_space<vmem>>, vector<1x100xf32>
    tpu.vector_store %arg3[%swap3A_227, %swap3A_228], %slice3A_224 {strides = array<i32>} : memref<256x100xf32, #tpu.memory_space<vmem>>, vector<1x100xf32>,
    %slice3A_230 = vector.extract_strided_slice %mul3A_223 {offsets = [1, 100], sizes = [1, 100], strides = [1, 1]} : vector<8x800xf32> to vector<1x100xf32>
    %add3A_231 = arith.constant 1 : i32
    %add3A_232 = arith.addi %multiple_of3A_209, %add3A_231 : i32
    %swap3A_233 = arith.index_cast %add3A_232 : i32 to index
    %swap3A_234 = arith.constant 0 : index
    %swap3A_235 = vector.load %arg3[%swap3A_233, %swap3A_234] : memref<256x100xf32, #tpu.memory_space<vmem>>, vector<1x100xf32>
    tpu.vector_store %arg3[%swap3A_233, %swap3A_234], %slice3A_230 {strides = array<i32>} : memref<256x100xf32, #tpu.memory_space<vmem>>, vector<1x100xf32>,
    %slice3A_236 = vector.extract_strided_slice %mul3A_223 {offsets = [2, 200], sizes = [1, 100], strides = [1, 1]} : vector<8x800xf32> to vector<1x100xf32>
    %add3A_237 = arith.constant 2 : i32
    %add3A_238 = arith.addi %multiple_of3A_209, %add3A_237 : i32
    %swap3A_239 = arith.index_cast %add3A_238 : i32 to index
    %swap3A_240 = arith.constant 0 : index
    %swap3A_241 = vector.load %arg3[%swap3A_239, %swap3A_240] : memref<256x100xf32, #tpu.memory_space<vmem>>, vector<1x100xf32>
    tpu.vector_store %arg3[%swap3A_239, %swap3A_240], %slice3A_236 {strides = array<i32>} : memref<256x100xf32, #tpu.memory_space<vmem>>, vector<1x100xf32>,
    %slice3A_242 = vector.extract_strided_slice %mul3A_223 {offsets = [3, 300], sizes = [1, 100], strides = [1, 1]} : vector<8x800xf32> to vector<1x100xf32>
    %add3A_243 = arith.constant 3 : i32
    %add3A_244 = arith.addi %multiple_of3A_209, %add3A_243 : i32
    %swap3A_245 = arith.index_cast %add3A_244 : i32 to index
    %swap3A_246 = arith.constant 0 : index
    %swap3A_247 = vector.load %arg3[%swap3A_245, %swap3A_246] : memref<256x100xf32, #tpu.memory_space<vmem>>, vector<1x100xf32>
    tpu.vector_store %arg3[%swap3A_245, %swap3A_246], %slice3A_242 {strides = array<i32>} : memref<256x100xf32, #tpu.memory_space<vmem>>, vector<1x100xf32>,
    %slice3A_248 = vector.extract_strided_slice %mul3A_223 {offsets = [4, 400], sizes = [1, 100], strides = [1, 1]} : vector<8x800xf32> to vector<1x100xf32>
    %add3A_249 = arith.constant 4 : i32
    %add3A_250 = arith.addi %multiple_of3A_209, %add3A_249 : i32
    %swap3A_251 = arith.index_cast %add3A_250 : i32 to index
    %swap3A_252 = arith.constant 0 : index
    %swap3A_253 = vector.load %arg3[%swap3A_251, %swap3A_252] : memref<256x100xf32, #tpu.memory_space<vmem>>, vector<1x100xf32>
    tpu.vector_store %arg3[%swap3A_251, %swap3A_252], %slice3A_248 {strides = array<i32>} : memref<256x100xf32, #tpu.memory_space<vmem>>, vector<1x100xf32>,
    %slice3A_254 = vector.extract_strided_slice %mul3A_223 {offsets = [5, 500], sizes = [1, 100], strides = [1, 1]} : vector<8x800xf32> to vector<1x100xf32>
    %add3A_255 = arith.constant 5 : i32
    %add3A_256 = arith.addi %multiple_of3A_209, %add3A_255 : i32
    %swap3A_257 = arith.index_cast %add3A_256 : i32 to index
    %swap3A_258 = arith.constant 0 : index
    %swap3A_259 = vector.load %arg3[%swap3A_257, %swap3A_258] : memref<256x100xf32, #tpu.memory_space<vmem>>, vector<1x100xf32>
    tpu.vector_store %arg3[%swap3A_257, %swap3A_258], %slice3A_254 {strides = array<i32>} : memref<256x100xf32, #tpu.memory_space<vmem>>, vector<1x100xf32>,
    %slice3A_260 = vector.extract_strided_slice %mul3A_223 {offsets = [6, 600], sizes = [1, 100], strides = [1, 1]} : vector<8x800xf32> to vector<1x100xf32>
    %add3A_261 = arith.constant 6 : i32
    %add3A_262 = arith.addi %multiple_of3A_209, %add3A_261 : i32
    %swap3A_263 = arith.index_cast %add3A_262 : i32 to index
    %swap3A_264 = arith.constant 0 : index
    %swap3A_265 = vector.load %arg3[%swap3A_263, %swap3A_264] : memref<256x100xf32, #tpu.memory_space<vmem>>, vector<1x100xf32>
    tpu.vector_store %arg3[%swap3A_263, %swap3A_264], %slice3A_260 {strides = array<i32>} : memref<256x100xf32, #tpu.memory_space<vmem>>, vector<1x100xf32>,
    %slice3A_266 = vector.extract_strided_slice %mul3A_223 {offsets = [7, 700], sizes = [1, 100], strides = [1, 1]} : vector<8x800xf32> to vector<1x100xf32>
    %add3A_267 = arith.constant 7 : i32
    %add3A_268 = arith.addi %multiple_of3A_209, %add3A_267 : i32
    %swap3A_269 = arith.index_cast %add3A_268 : i32 to index
    %swap3A_270 = arith.constant 0 : index
    %swap3A_271 = vector.load %arg3[%swap3A_269, %swap3A_270] : memref<256x100xf32, #tpu.memory_space<vmem>>, vector<1x100xf32>
    tpu.vector_store %arg3[%swap3A_269, %swap3A_270], %slice3A_266 {strides = array<i32>} : memref<256x100xf32, #tpu.memory_space<vmem>>, vector<1x100xf32>,
    return
  }
  func.func @transform_0(%arg0: i32) -> (i32, i32) {
    %add3A = arith.constant 16 : i32
    %add3A_0 = arith.addi %add3A, %arg0 : i32
    %c0_i32 = arith.constant 0 : i32
    %c0_i32_1 = arith.constant 0 : i32
    return %add3A_0, %c0_i32 : i32, i32
  }
  func.func @transform_1(%arg0: i32) -> (i32, i32) {
    %c0_i32 = arith.constant 0 : i32
    %c0_i32_0 = arith.constant 0 : i32
    %c0_i32_1 = arith.constant 0 : i32
    return %c0_i32, %c0_i32_0 : i32, i32
  }
  func.func @transform_2(%arg0: i32) -> (i32, i32) {
    %c0_i32 = arith.constant 0 : i32
    %c0_i32_0 = arith.constant 0 : i32
    %c0_i32_1 = arith.constant 0 : i32
    return %c0_i32, %c0_i32_0 : i32, i32
  }
}

module attributes {stable_mosaic.version = 14 : i64} {
  func.func @_fused_body(%arg0: i32, %arg1: memref<3200x300xf32, #tpu.memory_space<vmem>>, %arg2: memref<256x300xf32, #tpu.memory_space<vmem>>, %arg3: memref<256x100xf32, #tpu.memory_space<vmem>>) attributes {dimension_semantics = [#tpu.dimension_semantics<arbitrary>], iteration_bounds = array<i64: 8>, scalar_prefetch = 0 : i64, scratch_operands = 0 : i64, tpu.core_type = #tpu.core_type<tc>, window_params = [{transform_indices = @transform_0, window_bounds = array<i64: 3200, 300>}, {pipeline_mode = #tpu.pipeline_mode<synchronous>, transform_indices = @transform_1, window_bounds = array<i64: 256, 300>}, {pipeline_mode = #tpu.pipeline_mode<synchronous>, transform_indices = @transform_2, window_bounds = array<i64: 256, 100>}]} {
    %broadcast_in_dim3A = arith.constant 1.000000e+00 : f32
    %broadcast_in_dim3A_0 = vector.broadcast %broadcast_in_dim3A : f32 to vector<1x300xf32>
    %get3A = arith.constant 0 : index
    %get3A_1 = arith.constant 0 : index
    %get3A_2 = vector.load %arg1[%get3A, %get3A_1] : memref<3200x300xf32, #tpu.memory_space<vmem>>, vector<800x300xf32>
    %mul3A = arith.constant 32 : i32
    %mul3A_3 = arith.muli %arg0, %mul3A : i32
    %add3A = arith.constant 0 : i32
    %add3A_4 = arith.addi %mul3A_3, %add3A : i32
    %multiple_of3A = tpu.assume_multiple %add3A_4, 8 : i32
    %get3A_5 = arith.index_cast %multiple_of3A : i32 to index
    %get3A_6 = arith.constant 0 : index
    %get3A_7 = vector.load %arg2[%get3A_5, %get3A_6] : memref<256x300xf32, #tpu.memory_space<vmem>>, vector<8x300xf32>
    %dot_general3A = arith.constant dense<0.000000e+00> : vector<8x800xf32>
    %dot_general3A_8 = tpu.matmul %get3A_7, %get3A_2, %dot_general3A {dimension_numbers = #tpu.dot_dimension_numbers<[1], [1], [0], [0], [0, 0, 1, 0], [], []>, transpose_lhs_hint = false} : vector<8x300xf32>, vector<800x300xf32>, vector<8x800xf32> -> vector<8x800xf32>
    %mul3A_9 = arith.mulf %get3A_2, %get3A_2 : vector<800x300xf32>
    %dot_general3A_10 = arith.constant dense<0.000000e+00> : vector<1x800xf32>
    %dot_general3A_11 = tpu.matmul %broadcast_in_dim3A_0, %mul3A_9, %dot_general3A_10 {dimension_numbers = #tpu.dot_dimension_numbers<[1], [1], [0], [0], [0, 0, 1, 0], [], []>, transpose_lhs_hint = false} : vector<1x300xf32>, vector<800x300xf32>, vector<1x800xf32> -> vector<1x800xf32>
    %max3A = arith.constant 1.000000e-24 : f32
    %max3A_12 = vector.broadcast %max3A : f32 to vector<1x800xf32>
    %max3A_13 = arith.maximumf %dot_general3A_11, %max3A_12 : vector<1x800xf32>
    %rsqrt3A = math.rsqrt %max3A_13 : vector<1x800xf32>
    %mul3A_14 = vector.broadcast %rsqrt3A : vector<1x800xf32> to vector<8x800xf32>
    %mul3A_15 = arith.mulf %dot_general3A_8, %mul3A_14 : vector<8x800xf32>
    %slice3A = vector.extract_strided_slice %mul3A_15 {offsets = [0, 0], sizes = [1, 100], strides = [1, 1]} : vector<8x800xf32> to vector<1x100xf32>
    %add3A_16 = arith.constant 0 : i32
    %add3A_17 = arith.addi %multiple_of3A, %add3A_16 : i32
    %swap3A = arith.index_cast %add3A_17 : i32 to index
    %swap3A_18 = arith.constant 0 : index
    %swap3A_19 = vector.load %arg3[%swap3A, %swap3A_18] : memref<256x100xf32, #tpu.memory_space<vmem>>, vector<1x100xf32>
    tpu.vector_store %arg3[%swap3A, %swap3A_18], %slice3A {strides = array<i32>} : memref<256x100xf32, #tpu.memory_space<vmem>>, vector<1x100xf32>,
    %slice3A_20 = vector.extract_strided_slice %mul3A_15 {offsets = [1, 100], sizes = [1, 100], strides = [1, 1]} : vector<8x800xf32> to vector<1x100xf32>
    %add3A_21 = arith.constant 1 : i32
    %add3A_22 = arith.addi %multiple_of3A, %add3A_21 : i32
    %swap3A_23 = arith.index_cast %add3A_22 : i32 to index
    %swap3A_24 = arith.constant 0 : index
    %swap3A_25 = vector.load %arg3[%swap3A_23, %swap3A_24] : memref<256x100xf32, #tpu.memory_space<vmem>>, vector<1x100xf32>
    tpu.vector_store %arg3[%swap3A_23, %swap3A_24], %slice3A_20 {strides = array<i32>} : memref<256x100xf32, #tpu.memory_space<vmem>>, vector<1x100xf32>,
    %slice3A_26 = vector.extract_strided_slice %mul3A_15 {offsets = [2, 200], sizes = [1, 100], strides = [1, 1]} : vector<8x800xf32> to vector<1x100xf32>
    %add3A_27 = arith.constant 2 : i32
    %add3A_28 = arith.addi %multiple_of3A, %add3A_27 : i32
    %swap3A_29 = arith.index_cast %add3A_28 : i32 to index
    %swap3A_30 = arith.constant 0 : index
    %swap3A_31 = vector.load %arg3[%swap3A_29, %swap3A_30] : memref<256x100xf32, #tpu.memory_space<vmem>>, vector<1x100xf32>
    tpu.vector_store %arg3[%swap3A_29, %swap3A_30], %slice3A_26 {strides = array<i32>} : memref<256x100xf32, #tpu.memory_space<vmem>>, vector<1x100xf32>,
    %slice3A_32 = vector.extract_strided_slice %mul3A_15 {offsets = [3, 300], sizes = [1, 100], strides = [1, 1]} : vector<8x800xf32> to vector<1x100xf32>
    %add3A_33 = arith.constant 3 : i32
    %add3A_34 = arith.addi %multiple_of3A, %add3A_33 : i32
    %swap3A_35 = arith.index_cast %add3A_34 : i32 to index
    %swap3A_36 = arith.constant 0 : index
    %swap3A_37 = vector.load %arg3[%swap3A_35, %swap3A_36] : memref<256x100xf32, #tpu.memory_space<vmem>>, vector<1x100xf32>
    tpu.vector_store %arg3[%swap3A_35, %swap3A_36], %slice3A_32 {strides = array<i32>} : memref<256x100xf32, #tpu.memory_space<vmem>>, vector<1x100xf32>,
    %slice3A_38 = vector.extract_strided_slice %mul3A_15 {offsets = [4, 400], sizes = [1, 100], strides = [1, 1]} : vector<8x800xf32> to vector<1x100xf32>
    %add3A_39 = arith.constant 4 : i32
    %add3A_40 = arith.addi %multiple_of3A, %add3A_39 : i32
    %swap3A_41 = arith.index_cast %add3A_40 : i32 to index
    %swap3A_42 = arith.constant 0 : index
    %swap3A_43 = vector.load %arg3[%swap3A_41, %swap3A_42] : memref<256x100xf32, #tpu.memory_space<vmem>>, vector<1x100xf32>
    tpu.vector_store %arg3[%swap3A_41, %swap3A_42], %slice3A_38 {strides = array<i32>} : memref<256x100xf32, #tpu.memory_space<vmem>>, vector<1x100xf32>,
    %slice3A_44 = vector.extract_strided_slice %mul3A_15 {offsets = [5, 500], sizes = [1, 100], strides = [1, 1]} : vector<8x800xf32> to vector<1x100xf32>
    %add3A_45 = arith.constant 5 : i32
    %add3A_46 = arith.addi %multiple_of3A, %add3A_45 : i32
    %swap3A_47 = arith.index_cast %add3A_46 : i32 to index
    %swap3A_48 = arith.constant 0 : index
    %swap3A_49 = vector.load %arg3[%swap3A_47, %swap3A_48] : memref<256x100xf32, #tpu.memory_space<vmem>>, vector<1x100xf32>
    tpu.vector_store %arg3[%swap3A_47, %swap3A_48], %slice3A_44 {strides = array<i32>} : memref<256x100xf32, #tpu.memory_space<vmem>>, vector<1x100xf32>,
    %slice3A_50 = vector.extract_strided_slice %mul3A_15 {offsets = [6, 600], sizes = [1, 100], strides = [1, 1]} : vector<8x800xf32> to vector<1x100xf32>
    %add3A_51 = arith.constant 6 : i32
    %add3A_52 = arith.addi %multiple_of3A, %add3A_51 : i32
    %swap3A_53 = arith.index_cast %add3A_52 : i32 to index
    %swap3A_54 = arith.constant 0 : index
    %swap3A_55 = vector.load %arg3[%swap3A_53, %swap3A_54] : memref<256x100xf32, #tpu.memory_space<vmem>>, vector<1x100xf32>
    tpu.vector_store %arg3[%swap3A_53, %swap3A_54], %slice3A_50 {strides = array<i32>} : memref<256x100xf32, #tpu.memory_space<vmem>>, vector<1x100xf32>,
    %slice3A_56 = vector.extract_strided_slice %mul3A_15 {offsets = [7, 700], sizes = [1, 100], strides = [1, 1]} : vector<8x800xf32> to vector<1x100xf32>
    %add3A_57 = arith.constant 7 : i32
    %add3A_58 = arith.addi %multiple_of3A, %add3A_57 : i32
    %swap3A_59 = arith.index_cast %add3A_58 : i32 to index
    %swap3A_60 = arith.constant 0 : index
    %swap3A_61 = vector.load %arg3[%swap3A_59, %swap3A_60] : memref<256x100xf32, #tpu.memory_space<vmem>>, vector<1x100xf32>
    tpu.vector_store %arg3[%swap3A_59, %swap3A_60], %slice3A_56 {strides = array<i32>} : memref<256x100xf32, #tpu.memory_space<vmem>>, vector<1x100xf32>,
    %get3A_62 = arith.constant 800 : index
    %get3A_63 = arith.constant 0 : index
    %get3A_64 = vector.load %arg1[%get3A_62, %get3A_63] : memref<3200x300xf32, #tpu.memory_space<vmem>>, vector<800x300xf32>
    %mul3A_65 = arith.constant 32 : i32
    %mul3A_66 = arith.muli %arg0, %mul3A_65 : i32
    %add3A_67 = arith.constant 8 : i32
    %add3A_68 = arith.addi %mul3A_66, %add3A_67 : i32
    %multiple_of3A_69 = tpu.assume_multiple %add3A_68, 8 : i32
    %get3A_70 = arith.index_cast %multiple_of3A_69 : i32 to index
    %get3A_71 = arith.constant 0 : index
    %get3A_72 = vector.load %arg2[%get3A_70, %get3A_71] : memref<256x300xf32, #tpu.memory_space<vmem>>, vector<8x300xf32>
    %dot_general3A_73 = arith.constant dense<0.000000e+00> : vector<8x800xf32>
    %dot_general3A_74 = tpu.matmul %get3A_72, %get3A_64, %dot_general3A_73 {dimension_numbers = #tpu.dot_dimension_numbers<[1], [1], [0], [0], [0, 0, 1, 0], [], []>, transpose_lhs_hint = false} : vector<8x300xf32>, vector<800x300xf32>, vector<8x800xf32> -> vector<8x800xf32>
    %mul3A_75 = arith.mulf %get3A_64, %get3A_64 : vector<800x300xf32>
    %dot_general3A_76 = arith.constant dense<0.000000e+00> : vector<1x800xf32>
    %dot_general3A_77 = tpu.matmul %broadcast_in_dim3A_0, %mul3A_75, %dot_general3A_76 {dimension_numbers = #tpu.dot_dimension_numbers<[1], [1], [0], [0], [0, 0, 1, 0], [], []>, transpose_lhs_hint = false} : vector<1x300xf32>, vector<800x300xf32>, vector<1x800xf32> -> vector<1x800xf32>
    %max3A_78 = arith.constant 1.000000e-24 : f32
    %max3A_79 = vector.broadcast %max3A_78 : f32 to vector<1x800xf32>
    %max3A_80 = arith.maximumf %dot_general3A_77, %max3A_79 : vector<1x800xf32>
    %rsqrt3A_81 = math.rsqrt %max3A_80 : vector<1x800xf32>
    %mul3A_82 = vector.broadcast %rsqrt3A_81 : vector<1x800xf32> to vector<8x800xf32>
    %mul3A_83 = arith.mulf %dot_general3A_74, %mul3A_82 : vector<8x800xf32>
    %slice3A_84 = vector.extract_strided_slice %mul3A_83 {offsets = [0, 0], sizes = [1, 100], strides = [1, 1]} : vector<8x800xf32> to vector<1x100xf32>
    %add3A_85 = arith.constant 0 : i32
    %add3A_86 = arith.addi %multiple_of3A_69, %add3A_85 : i32
    %swap3A_87 = arith.index_cast %add3A_86 : i32 to index
    %swap3A_88 = arith.constant 0 : index
    %swap3A_89 = vector.load %arg3[%swap3A_87, %swap3A_88] : memref<256x100xf32, #tpu.memory_space<vmem>>, vector<1x100xf32>
    tpu.vector_store %arg3[%swap3A_87, %swap3A_88], %slice3A_84 {strides = array<i32>} : memref<256x100xf32, #tpu.memory_space<vmem>>, vector<1x100xf32>,
    %slice3A_90 = vector.extract_strided_slice %mul3A_83 {offsets = [1, 100], sizes = [1, 100], strides = [1, 1]} : vector<8x800xf32> to vector<1x100xf32>
    %add3A_91 = arith.constant 1 : i32
    %add3A_92 = arith.addi %multiple_of3A_69, %add3A_91 : i32
    %swap3A_93 = arith.index_cast %add3A_92 : i32 to index
    %swap3A_94 = arith.constant 0 : index
    %swap3A_95 = vector.load %arg3[%swap3A_93, %swap3A_94] : memref<256x100xf32, #tpu.memory_space<vmem>>, vector<1x100xf32>
    tpu.vector_store %arg3[%swap3A_93, %swap3A_94], %slice3A_90 {strides = array<i32>} : memref<256x100xf32, #tpu.memory_space<vmem>>, vector<1x100xf32>,
    %slice3A_96 = vector.extract_strided_slice %mul3A_83 {offsets = [2, 200], sizes = [1, 100], strides = [1, 1]} : vector<8x800xf32> to vector<1x100xf32>
    %add3A_97 = arith.constant 2 : i32
    %add3A_98 = arith.addi %multiple_of3A_69, %add3A_97 : i32
    %swap3A_99 = arith.index_cast %add3A_98 : i32 to index
    %swap3A_100 = arith.constant 0 : index
    %swap3A_101 = vector.load %arg3[%swap3A_99, %swap3A_100] : memref<256x100xf32, #tpu.memory_space<vmem>>, vector<1x100xf32>
    tpu.vector_store %arg3[%swap3A_99, %swap3A_100], %slice3A_96 {strides = array<i32>} : memref<256x100xf32, #tpu.memory_space<vmem>>, vector<1x100xf32>,
    %slice3A_102 = vector.extract_strided_slice %mul3A_83 {offsets = [3, 300], sizes = [1, 100], strides = [1, 1]} : vector<8x800xf32> to vector<1x100xf32>
    %add3A_103 = arith.constant 3 : i32
    %add3A_104 = arith.addi %multiple_of3A_69, %add3A_103 : i32
    %swap3A_105 = arith.index_cast %add3A_104 : i32 to index
    %swap3A_106 = arith.constant 0 : index
    %swap3A_107 = vector.load %arg3[%swap3A_105, %swap3A_106] : memref<256x100xf32, #tpu.memory_space<vmem>>, vector<1x100xf32>
    tpu.vector_store %arg3[%swap3A_105, %swap3A_106], %slice3A_102 {strides = array<i32>} : memref<256x100xf32, #tpu.memory_space<vmem>>, vector<1x100xf32>,
    %slice3A_108 = vector.extract_strided_slice %mul3A_83 {offsets = [4, 400], sizes = [1, 100], strides = [1, 1]} : vector<8x800xf32> to vector<1x100xf32>
    %add3A_109 = arith.constant 4 : i32
    %add3A_110 = arith.addi %multiple_of3A_69, %add3A_109 : i32
    %swap3A_111 = arith.index_cast %add3A_110 : i32 to index
    %swap3A_112 = arith.constant 0 : index
    %swap3A_113 = vector.load %arg3[%swap3A_111, %swap3A_112] : memref<256x100xf32, #tpu.memory_space<vmem>>, vector<1x100xf32>
    tpu.vector_store %arg3[%swap3A_111, %swap3A_112], %slice3A_108 {strides = array<i32>} : memref<256x100xf32, #tpu.memory_space<vmem>>, vector<1x100xf32>,
    %slice3A_114 = vector.extract_strided_slice %mul3A_83 {offsets = [5, 500], sizes = [1, 100], strides = [1, 1]} : vector<8x800xf32> to vector<1x100xf32>
    %add3A_115 = arith.constant 5 : i32
    %add3A_116 = arith.addi %multiple_of3A_69, %add3A_115 : i32
    %swap3A_117 = arith.index_cast %add3A_116 : i32 to index
    %swap3A_118 = arith.constant 0 : index
    %swap3A_119 = vector.load %arg3[%swap3A_117, %swap3A_118] : memref<256x100xf32, #tpu.memory_space<vmem>>, vector<1x100xf32>
    tpu.vector_store %arg3[%swap3A_117, %swap3A_118], %slice3A_114 {strides = array<i32>} : memref<256x100xf32, #tpu.memory_space<vmem>>, vector<1x100xf32>,
    %slice3A_120 = vector.extract_strided_slice %mul3A_83 {offsets = [6, 600], sizes = [1, 100], strides = [1, 1]} : vector<8x800xf32> to vector<1x100xf32>
    %add3A_121 = arith.constant 6 : i32
    %add3A_122 = arith.addi %multiple_of3A_69, %add3A_121 : i32
    %swap3A_123 = arith.index_cast %add3A_122 : i32 to index
    %swap3A_124 = arith.constant 0 : index
    %swap3A_125 = vector.load %arg3[%swap3A_123, %swap3A_124] : memref<256x100xf32, #tpu.memory_space<vmem>>, vector<1x100xf32>
    tpu.vector_store %arg3[%swap3A_123, %swap3A_124], %slice3A_120 {strides = array<i32>} : memref<256x100xf32, #tpu.memory_space<vmem>>, vector<1x100xf32>,
    %slice3A_126 = vector.extract_strided_slice %mul3A_83 {offsets = [7, 700], sizes = [1, 100], strides = [1, 1]} : vector<8x800xf32> to vector<1x100xf32>
    %add3A_127 = arith.constant 7 : i32
    %add3A_128 = arith.addi %multiple_of3A_69, %add3A_127 : i32
    %swap3A_129 = arith.index_cast %add3A_128 : i32 to index
    %swap3A_130 = arith.constant 0 : index
    %swap3A_131 = vector.load %arg3[%swap3A_129, %swap3A_130] : memref<256x100xf32, #tpu.memory_space<vmem>>, vector<1x100xf32>
    tpu.vector_store %arg3[%swap3A_129, %swap3A_130], %slice3A_126 {strides = array<i32>} : memref<256x100xf32, #tpu.memory_space<vmem>>, vector<1x100xf32>,
    %get3A_132 = arith.constant 1600 : index
    %get3A_133 = arith.constant 0 : index
    %get3A_134 = vector.load %arg1[%get3A_132, %get3A_133] : memref<3200x300xf32, #tpu.memory_space<vmem>>, vector<800x300xf32>
    %mul3A_135 = arith.constant 32 : i32
    %mul3A_136 = arith.muli %arg0, %mul3A_135 : i32
    %add3A_137 = arith.constant 16 : i32
    %add3A_138 = arith.addi %mul3A_136, %add3A_137 : i32
    %multiple_of3A_139 = tpu.assume_multiple %add3A_138, 8 : i32
    %get3A_140 = arith.index_cast %multiple_of3A_139 : i32 to index
    %get3A_141 = arith.constant 0 : index
    %get3A_142 = vector.load %arg2[%get3A_140, %get3A_141] : memref<256x300xf32, #tpu.memory_space<vmem>>, vector<8x300xf32>
    %dot_general3A_143 = arith.constant dense<0.000000e+00> : vector<8x800xf32>
    %dot_general3A_144 = tpu.matmul %get3A_142, %get3A_134, %dot_general3A_143 {dimension_numbers = #tpu.dot_dimension_numbers<[1], [1], [0], [0], [0, 0, 1, 0], [], []>, transpose_lhs_hint = false} : vector<8x300xf32>, vector<800x300xf32>, vector<8x800xf32> -> vector<8x800xf32>
    %mul3A_145 = arith.mulf %get3A_134, %get3A_134 : vector<800x300xf32>
    %dot_general3A_146 = arith.constant dense<0.000000e+00> : vector<1x800xf32>
    %dot_general3A_147 = tpu.matmul %broadcast_in_dim3A_0, %mul3A_145, %dot_general3A_146 {dimension_numbers = #tpu.dot_dimension_numbers<[1], [1], [0], [0], [0, 0, 1, 0], [], []>, transpose_lhs_hint = false} : vector<1x300xf32>, vector<800x300xf32>, vector<1x800xf32> -> vector<1x800xf32>
    %max3A_148 = arith.constant 1.000000e-24 : f32
    %max3A_149 = vector.broadcast %max3A_148 : f32 to vector<1x800xf32>
    %max3A_150 = arith.maximumf %dot_general3A_147, %max3A_149 : vector<1x800xf32>
    %rsqrt3A_151 = math.rsqrt %max3A_150 : vector<1x800xf32>
    %mul3A_152 = vector.broadcast %rsqrt3A_151 : vector<1x800xf32> to vector<8x800xf32>
    %mul3A_153 = arith.mulf %dot_general3A_144, %mul3A_152 : vector<8x800xf32>
    %slice3A_154 = vector.extract_strided_slice %mul3A_153 {offsets = [0, 0], sizes = [1, 100], strides = [1, 1]} : vector<8x800xf32> to vector<1x100xf32>
    %add3A_155 = arith.constant 0 : i32
    %add3A_156 = arith.addi %multiple_of3A_139, %add3A_155 : i32
    %swap3A_157 = arith.index_cast %add3A_156 : i32 to index
    %swap3A_158 = arith.constant 0 : index
    %swap3A_159 = vector.load %arg3[%swap3A_157, %swap3A_158] : memref<256x100xf32, #tpu.memory_space<vmem>>, vector<1x100xf32>
    tpu.vector_store %arg3[%swap3A_157, %swap3A_158], %slice3A_154 {strides = array<i32>} : memref<256x100xf32, #tpu.memory_space<vmem>>, vector<1x100xf32>,
    %slice3A_160 = vector.extract_strided_slice %mul3A_153 {offsets = [1, 100], sizes = [1, 100], strides = [1, 1]} : vector<8x800xf32> to vector<1x100xf32>
    %add3A_161 = arith.constant 1 : i32
    %add3A_162 = arith.addi %multiple_of3A_139, %add3A_161 : i32
    %swap3A_163 = arith.index_cast %add3A_162 : i32 to index
    %swap3A_164 = arith.constant 0 : index
    %swap3A_165 = vector.load %arg3[%swap3A_163, %swap3A_164] : memref<256x100xf32, #tpu.memory_space<vmem>>, vector<1x100xf32>
    tpu.vector_store %arg3[%swap3A_163, %swap3A_164], %slice3A_160 {strides = array<i32>} : memref<256x100xf32, #tpu.memory_space<vmem>>, vector<1x100xf32>,
    %slice3A_166 = vector.extract_strided_slice %mul3A_153 {offsets = [2, 200], sizes = [1, 100], strides = [1, 1]} : vector<8x800xf32> to vector<1x100xf32>
    %add3A_167 = arith.constant 2 : i32
    %add3A_168 = arith.addi %multiple_of3A_139, %add3A_167 : i32
    %swap3A_169 = arith.index_cast %add3A_168 : i32 to index
    %swap3A_170 = arith.constant 0 : index
    %swap3A_171 = vector.load %arg3[%swap3A_169, %swap3A_170] : memref<256x100xf32, #tpu.memory_space<vmem>>, vector<1x100xf32>
    tpu.vector_store %arg3[%swap3A_169, %swap3A_170], %slice3A_166 {strides = array<i32>} : memref<256x100xf32, #tpu.memory_space<vmem>>, vector<1x100xf32>,
    %slice3A_172 = vector.extract_strided_slice %mul3A_153 {offsets = [3, 300], sizes = [1, 100], strides = [1, 1]} : vector<8x800xf32> to vector<1x100xf32>
    %add3A_173 = arith.constant 3 : i32
    %add3A_174 = arith.addi %multiple_of3A_139, %add3A_173 : i32
    %swap3A_175 = arith.index_cast %add3A_174 : i32 to index
    %swap3A_176 = arith.constant 0 : index
    %swap3A_177 = vector.load %arg3[%swap3A_175, %swap3A_176] : memref<256x100xf32, #tpu.memory_space<vmem>>, vector<1x100xf32>
    tpu.vector_store %arg3[%swap3A_175, %swap3A_176], %slice3A_172 {strides = array<i32>} : memref<256x100xf32, #tpu.memory_space<vmem>>, vector<1x100xf32>,
    %slice3A_178 = vector.extract_strided_slice %mul3A_153 {offsets = [4, 400], sizes = [1, 100], strides = [1, 1]} : vector<8x800xf32> to vector<1x100xf32>
    %add3A_179 = arith.constant 4 : i32
    %add3A_180 = arith.addi %multiple_of3A_139, %add3A_179 : i32
    %swap3A_181 = arith.index_cast %add3A_180 : i32 to index
    %swap3A_182 = arith.constant 0 : index
    %swap3A_183 = vector.load %arg3[%swap3A_181, %swap3A_182] : memref<256x100xf32, #tpu.memory_space<vmem>>, vector<1x100xf32>
    tpu.vector_store %arg3[%swap3A_181, %swap3A_182], %slice3A_178 {strides = array<i32>} : memref<256x100xf32, #tpu.memory_space<vmem>>, vector<1x100xf32>,
    %slice3A_184 = vector.extract_strided_slice %mul3A_153 {offsets = [5, 500], sizes = [1, 100], strides = [1, 1]} : vector<8x800xf32> to vector<1x100xf32>
    %add3A_185 = arith.constant 5 : i32
    %add3A_186 = arith.addi %multiple_of3A_139, %add3A_185 : i32
    %swap3A_187 = arith.index_cast %add3A_186 : i32 to index
    %swap3A_188 = arith.constant 0 : index
    %swap3A_189 = vector.load %arg3[%swap3A_187, %swap3A_188] : memref<256x100xf32, #tpu.memory_space<vmem>>, vector<1x100xf32>
    tpu.vector_store %arg3[%swap3A_187, %swap3A_188], %slice3A_184 {strides = array<i32>} : memref<256x100xf32, #tpu.memory_space<vmem>>, vector<1x100xf32>,
    %slice3A_190 = vector.extract_strided_slice %mul3A_153 {offsets = [6, 600], sizes = [1, 100], strides = [1, 1]} : vector<8x800xf32> to vector<1x100xf32>
    %add3A_191 = arith.constant 6 : i32
    %add3A_192 = arith.addi %multiple_of3A_139, %add3A_191 : i32
    %swap3A_193 = arith.index_cast %add3A_192 : i32 to index
    %swap3A_194 = arith.constant 0 : index
    %swap3A_195 = vector.load %arg3[%swap3A_193, %swap3A_194] : memref<256x100xf32, #tpu.memory_space<vmem>>, vector<1x100xf32>
    tpu.vector_store %arg3[%swap3A_193, %swap3A_194], %slice3A_190 {strides = array<i32>} : memref<256x100xf32, #tpu.memory_space<vmem>>, vector<1x100xf32>,
    %slice3A_196 = vector.extract_strided_slice %mul3A_153 {offsets = [7, 700], sizes = [1, 100], strides = [1, 1]} : vector<8x800xf32> to vector<1x100xf32>
    %add3A_197 = arith.constant 7 : i32
    %add3A_198 = arith.addi %multiple_of3A_139, %add3A_197 : i32
    %swap3A_199 = arith.index_cast %add3A_198 : i32 to index
    %swap3A_200 = arith.constant 0 : index
    %swap3A_201 = vector.load %arg3[%swap3A_199, %swap3A_200] : memref<256x100xf32, #tpu.memory_space<vmem>>, vector<1x100xf32>
    tpu.vector_store %arg3[%swap3A_199, %swap3A_200], %slice3A_196 {strides = array<i32>} : memref<256x100xf32, #tpu.memory_space<vmem>>, vector<1x100xf32>,
    %get3A_202 = arith.constant 2400 : index
    %get3A_203 = arith.constant 0 : index
    %get3A_204 = vector.load %arg1[%get3A_202, %get3A_203] : memref<3200x300xf32, #tpu.memory_space<vmem>>, vector<800x300xf32>
    %mul3A_205 = arith.constant 32 : i32
    %mul3A_206 = arith.muli %arg0, %mul3A_205 : i32
    %add3A_207 = arith.constant 24 : i32
    %add3A_208 = arith.addi %mul3A_206, %add3A_207 : i32
    %multiple_of3A_209 = tpu.assume_multiple %add3A_208, 8 : i32
    %get3A_210 = arith.index_cast %multiple_of3A_209 : i32 to index
    %get3A_211 = arith.constant 0 : index
    %get3A_212 = vector.load %arg2[%get3A_210, %get3A_211] : memref<256x300xf32, #tpu.memory_space<vmem>>, vector<8x300xf32>
    %dot_general3A_213 = arith.constant dense<0.000000e+00> : vector<8x800xf32>
    %dot_general3A_214 = tpu.matmul %get3A_212, %get3A_204, %dot_general3A_213 {dimension_numbers = #tpu.dot_dimension_numbers<[1], [1], [0], [0], [0, 0, 1, 0], [], []>, transpose_lhs_hint = false} : vector<8x300xf32>, vector<800x300xf32>, vector<8x800xf32> -> vector<8x800xf32>
    %mul3A_215 = arith.mulf %get3A_204, %get3A_204 : vector<800x300xf32>
    %dot_general3A_216 = arith.constant dense<0.000000e+00> : vector<1x800xf32>
    %dot_general3A_217 = tpu.matmul %broadcast_in_dim3A_0, %mul3A_215, %dot_general3A_216 {dimension_numbers = #tpu.dot_dimension_numbers<[1], [1], [0], [0], [0, 0, 1, 0], [], []>, transpose_lhs_hint = false} : vector<1x300xf32>, vector<800x300xf32>, vector<1x800xf32> -> vector<1x800xf32>
    %max3A_218 = arith.constant 1.000000e-24 : f32
    %max3A_219 = vector.broadcast %max3A_218 : f32 to vector<1x800xf32>
    %max3A_220 = arith.maximumf %dot_general3A_217, %max3A_219 : vector<1x800xf32>
    %rsqrt3A_221 = math.rsqrt %max3A_220 : vector<1x800xf32>
    %mul3A_222 = vector.broadcast %rsqrt3A_221 : vector<1x800xf32> to vector<8x800xf32>
    %mul3A_223 = arith.mulf %dot_general3A_214, %mul3A_222 : vector<8x800xf32>
    %slice3A_224 = vector.extract_strided_slice %mul3A_223 {offsets = [0, 0], sizes = [1, 100], strides = [1, 1]} : vector<8x800xf32> to vector<1x100xf32>
    %add3A_225 = arith.constant 0 : i32
    %add3A_226 = arith.addi %multiple_of3A_209, %add3A_225 : i32
    %swap3A_227 = arith.index_cast %add3A_226 : i32 to index
    %swap3A_228 = arith.constant 0 : index
    %swap3A_229 = vector.load %arg3[%swap3A_227, %swap3A_228] : memref<256x100xf32, #tpu.memory_space<vmem>>, vector<1x100xf32>
    tpu.vector_store %arg3[%swap3A_227, %swap3A_228], %slice3A_224 {strides = array<i32>} : memref<256x100xf32, #tpu.memory_space<vmem>>, vector<1x100xf32>,
    %slice3A_230 = vector.extract_strided_slice %mul3A_223 {offsets = [1, 100], sizes = [1, 100], strides = [1, 1]} : vector<8x800xf32> to vector<1x100xf32>
    %add3A_231 = arith.constant 1 : i32
    %add3A_232 = arith.addi %multiple_of3A_209, %add3A_231 : i32
    %swap3A_233 = arith.index_cast %add3A_232 : i32 to index
    %swap3A_234 = arith.constant 0 : index
    %swap3A_235 = vector.load %arg3[%swap3A_233, %swap3A_234] : memref<256x100xf32, #tpu.memory_space<vmem>>, vector<1x100xf32>
    tpu.vector_store %arg3[%swap3A_233, %swap3A_234], %slice3A_230 {strides = array<i32>} : memref<256x100xf32, #tpu.memory_space<vmem>>, vector<1x100xf32>,
    %slice3A_236 = vector.extract_strided_slice %mul3A_223 {offsets = [2, 200], sizes = [1, 100], strides = [1, 1]} : vector<8x800xf32> to vector<1x100xf32>
    %add3A_237 = arith.constant 2 : i32
    %add3A_238 = arith.addi %multiple_of3A_209, %add3A_237 : i32
    %swap3A_239 = arith.index_cast %add3A_238 : i32 to index
    %swap3A_240 = arith.constant 0 : index
    %swap3A_241 = vector.load %arg3[%swap3A_239, %swap3A_240] : memref<256x100xf32, #tpu.memory_space<vmem>>, vector<1x100xf32>
    tpu.vector_store %arg3[%swap3A_239, %swap3A_240], %slice3A_236 {strides = array<i32>} : memref<256x100xf32, #tpu.memory_space<vmem>>, vector<1x100xf32>,
    %slice3A_242 = vector.extract_strided_slice %mul3A_223 {offsets = [3, 300], sizes = [1, 100], strides = [1, 1]} : vector<8x800xf32> to vector<1x100xf32>
    %add3A_243 = arith.constant 3 : i32
    %add3A_244 = arith.addi %multiple_of3A_209, %add3A_243 : i32
    %swap3A_245 = arith.index_cast %add3A_244 : i32 to index
    %swap3A_246 = arith.constant 0 : index
    %swap3A_247 = vector.load %arg3[%swap3A_245, %swap3A_246] : memref<256x100xf32, #tpu.memory_space<vmem>>, vector<1x100xf32>
    tpu.vector_store %arg3[%swap3A_245, %swap3A_246], %slice3A_242 {strides = array<i32>} : memref<256x100xf32, #tpu.memory_space<vmem>>, vector<1x100xf32>,
    %slice3A_248 = vector.extract_strided_slice %mul3A_223 {offsets = [4, 400], sizes = [1, 100], strides = [1, 1]} : vector<8x800xf32> to vector<1x100xf32>
    %add3A_249 = arith.constant 4 : i32
    %add3A_250 = arith.addi %multiple_of3A_209, %add3A_249 : i32
    %swap3A_251 = arith.index_cast %add3A_250 : i32 to index
    %swap3A_252 = arith.constant 0 : index
    %swap3A_253 = vector.load %arg3[%swap3A_251, %swap3A_252] : memref<256x100xf32, #tpu.memory_space<vmem>>, vector<1x100xf32>
    tpu.vector_store %arg3[%swap3A_251, %swap3A_252], %slice3A_248 {strides = array<i32>} : memref<256x100xf32, #tpu.memory_space<vmem>>, vector<1x100xf32>,
    %slice3A_254 = vector.extract_strided_slice %mul3A_223 {offsets = [5, 500], sizes = [1, 100], strides = [1, 1]} : vector<8x800xf32> to vector<1x100xf32>
    %add3A_255 = arith.constant 5 : i32
    %add3A_256 = arith.addi %multiple_of3A_209, %add3A_255 : i32
    %swap3A_257 = arith.index_cast %add3A_256 : i32 to index
    %swap3A_258 = arith.constant 0 : index
    %swap3A_259 = vector.load %arg3[%swap3A_257, %swap3A_258] : memref<256x100xf32, #tpu.memory_space<vmem>>, vector<1x100xf32>
    tpu.vector_store %arg3[%swap3A_257, %swap3A_258], %slice3A_254 {strides = array<i32>} : memref<256x100xf32, #tpu.memory_space<vmem>>, vector<1x100xf32>,
    %slice3A_260 = vector.extract_strided_slice %mul3A_223 {offsets = [6, 600], sizes = [1, 100], strides = [1, 1]} : vector<8x800xf32> to vector<1x100xf32>
    %add3A_261 = arith.constant 6 : i32
    %add3A_262 = arith.addi %multiple_of3A_209, %add3A_261 : i32
    %swap3A_263 = arith.index_cast %add3A_262 : i32 to index
    %swap3A_264 = arith.constant 0 : index
    %swap3A_265 = vector.load %arg3[%swap3A_263, %swap3A_264] : memref<256x100xf32, #tpu.memory_space<vmem>>, vector<1x100xf32>
    tpu.vector_store %arg3[%swap3A_263, %swap3A_264], %slice3A_260 {strides = array<i32>} : memref<256x100xf32, #tpu.memory_space<vmem>>, vector<1x100xf32>,
    %slice3A_266 = vector.extract_strided_slice %mul3A_223 {offsets = [7, 700], sizes = [1, 100], strides = [1, 1]} : vector<8x800xf32> to vector<1x100xf32>
    %add3A_267 = arith.constant 7 : i32
    %add3A_268 = arith.addi %multiple_of3A_209, %add3A_267 : i32
    %swap3A_269 = arith.index_cast %add3A_268 : i32 to index
    %swap3A_270 = arith.constant 0 : index
    %swap3A_271 = vector.load %arg3[%swap3A_269, %swap3A_270] : memref<256x100xf32, #tpu.memory_space<vmem>>, vector<1x100xf32>
    tpu.vector_store %arg3[%swap3A_269, %swap3A_270], %slice3A_266 {strides = array<i32>} : memref<256x100xf32, #tpu.memory_space<vmem>>, vector<1x100xf32>,
    return
  }
  func.func @transform_0(%arg0: i32) -> (i32, i32) {
    %add3A = arith.constant 8 : i32
    %add3A_0 = arith.addi %add3A, %arg0 : i32
    %c0_i32 = arith.constant 0 : i32
    %c0_i32_1 = arith.constant 0 : i32
    return %add3A_0, %c0_i32 : i32, i32
  }
  func.func @transform_1(%arg0: i32) -> (i32, i32) {
    %c0_i32 = arith.constant 0 : i32
    %c0_i32_0 = arith.constant 0 : i32
    %c0_i32_1 = arith.constant 0 : i32
    return %c0_i32, %c0_i32_0 : i32, i32
  }
  func.func @transform_2(%arg0: i32) -> (i32, i32) {
    %c0_i32 = arith.constant 0 : i32
    %c0_i32_0 = arith.constant 0 : i32
    %c0_i32_1 = arith.constant 0 : i32
    return %c0_i32, %c0_i32_0 : i32, i32
  }
}

module attributes {stable_mosaic.version = 14 : i64} {
  func.func @_fused_body(%arg0: i32, %arg1: memref<3200x300xf32, #tpu.memory_space<vmem>>, %arg2: memref<256x300xf32, #tpu.memory_space<vmem>>, %arg3: memref<256x100xf32, #tpu.memory_space<vmem>>) attributes {dimension_semantics = [#tpu.dimension_semantics<arbitrary>], iteration_bounds = array<i64: 8>, scalar_prefetch = 0 : i64, scratch_operands = 0 : i64, tpu.core_type = #tpu.core_type<tc>, window_params = [{transform_indices = @transform_0, window_bounds = array<i64: 3200, 300>}, {pipeline_mode = #tpu.pipeline_mode<synchronous>, transform_indices = @transform_1, window_bounds = array<i64: 256, 300>}, {pipeline_mode = #tpu.pipeline_mode<synchronous>, transform_indices = @transform_2, window_bounds = array<i64: 256, 100>}]} {
    %broadcast_in_dim3A = arith.constant 1.000000e+00 : f32
    %broadcast_in_dim3A_0 = vector.broadcast %broadcast_in_dim3A : f32 to vector<1x300xf32>
    %get3A = arith.constant 0 : index
    %get3A_1 = arith.constant 0 : index
    %get3A_2 = vector.load %arg1[%get3A, %get3A_1] : memref<3200x300xf32, #tpu.memory_space<vmem>>, vector<800x300xf32>
    %mul3A = arith.constant 32 : i32
    %mul3A_3 = arith.muli %arg0, %mul3A : i32
    %add3A = arith.constant 0 : i32
    %add3A_4 = arith.addi %mul3A_3, %add3A : i32
    %multiple_of3A = tpu.assume_multiple %add3A_4, 8 : i32
    %get3A_5 = arith.index_cast %multiple_of3A : i32 to index
    %get3A_6 = arith.constant 0 : index
    %get3A_7 = vector.load %arg2[%get3A_5, %get3A_6] : memref<256x300xf32, #tpu.memory_space<vmem>>, vector<8x300xf32>
    %dot_general3A = arith.constant dense<0.000000e+00> : vector<8x800xf32>
    %dot_general3A_8 = tpu.matmul %get3A_7, %get3A_2, %dot_general3A {dimension_numbers = #tpu.dot_dimension_numbers<[1], [1], [0], [0], [0, 0, 1, 0], [], []>, transpose_lhs_hint = false} : vector<8x300xf32>, vector<800x300xf32>, vector<8x800xf32> -> vector<8x800xf32>
    %mul3A_9 = arith.mulf %get3A_2, %get3A_2 : vector<800x300xf32>
    %dot_general3A_10 = arith.constant dense<0.000000e+00> : vector<1x800xf32>
    %dot_general3A_11 = tpu.matmul %broadcast_in_dim3A_0, %mul3A_9, %dot_general3A_10 {dimension_numbers = #tpu.dot_dimension_numbers<[1], [1], [0], [0], [0, 0, 1, 0], [], []>, transpose_lhs_hint = false} : vector<1x300xf32>, vector<800x300xf32>, vector<1x800xf32> -> vector<1x800xf32>
    %max3A = arith.constant 1.000000e-24 : f32
    %max3A_12 = vector.broadcast %max3A : f32 to vector<1x800xf32>
    %max3A_13 = arith.maximumf %dot_general3A_11, %max3A_12 : vector<1x800xf32>
    %rsqrt3A = math.rsqrt %max3A_13 : vector<1x800xf32>
    %mul3A_14 = vector.broadcast %rsqrt3A : vector<1x800xf32> to vector<8x800xf32>
    %mul3A_15 = arith.mulf %dot_general3A_8, %mul3A_14 : vector<8x800xf32>
    %slice3A = vector.extract_strided_slice %mul3A_15 {offsets = [0, 0], sizes = [1, 100], strides = [1, 1]} : vector<8x800xf32> to vector<1x100xf32>
    %add3A_16 = arith.constant 0 : i32
    %add3A_17 = arith.addi %multiple_of3A, %add3A_16 : i32
    %swap3A = arith.index_cast %add3A_17 : i32 to index
    %swap3A_18 = arith.constant 0 : index
    %swap3A_19 = vector.load %arg3[%swap3A, %swap3A_18] : memref<256x100xf32, #tpu.memory_space<vmem>>, vector<1x100xf32>
    tpu.vector_store %arg3[%swap3A, %swap3A_18], %slice3A {strides = array<i32>} : memref<256x100xf32, #tpu.memory_space<vmem>>, vector<1x100xf32>,
    %slice3A_20 = vector.extract_strided_slice %mul3A_15 {offsets = [1, 100], sizes = [1, 100], strides = [1, 1]} : vector<8x800xf32> to vector<1x100xf32>
    %add3A_21 = arith.constant 1 : i32
    %add3A_22 = arith.addi %multiple_of3A, %add3A_21 : i32
    %swap3A_23 = arith.index_cast %add3A_22 : i32 to index
    %swap3A_24 = arith.constant 0 : index
    %swap3A_25 = vector.load %arg3[%swap3A_23, %swap3A_24] : memref<256x100xf32, #tpu.memory_space<vmem>>, vector<1x100xf32>
    tpu.vector_store %arg3[%swap3A_23, %swap3A_24], %slice3A_20 {strides = array<i32>} : memref<256x100xf32, #tpu.memory_space<vmem>>, vector<1x100xf32>,
    %slice3A_26 = vector.extract_strided_slice %mul3A_15 {offsets = [2, 200], sizes = [1, 100], strides = [1, 1]} : vector<8x800xf32> to vector<1x100xf32>
    %add3A_27 = arith.constant 2 : i32
    %add3A_28 = arith.addi %multiple_of3A, %add3A_27 : i32
    %swap3A_29 = arith.index_cast %add3A_28 : i32 to index
    %swap3A_30 = arith.constant 0 : index
    %swap3A_31 = vector.load %arg3[%swap3A_29, %swap3A_30] : memref<256x100xf32, #tpu.memory_space<vmem>>, vector<1x100xf32>
    tpu.vector_store %arg3[%swap3A_29, %swap3A_30], %slice3A_26 {strides = array<i32>} : memref<256x100xf32, #tpu.memory_space<vmem>>, vector<1x100xf32>,
    %slice3A_32 = vector.extract_strided_slice %mul3A_15 {offsets = [3, 300], sizes = [1, 100], strides = [1, 1]} : vector<8x800xf32> to vector<1x100xf32>
    %add3A_33 = arith.constant 3 : i32
    %add3A_34 = arith.addi %multiple_of3A, %add3A_33 : i32
    %swap3A_35 = arith.index_cast %add3A_34 : i32 to index
    %swap3A_36 = arith.constant 0 : index
    %swap3A_37 = vector.load %arg3[%swap3A_35, %swap3A_36] : memref<256x100xf32, #tpu.memory_space<vmem>>, vector<1x100xf32>
    tpu.vector_store %arg3[%swap3A_35, %swap3A_36], %slice3A_32 {strides = array<i32>} : memref<256x100xf32, #tpu.memory_space<vmem>>, vector<1x100xf32>,
    %slice3A_38 = vector.extract_strided_slice %mul3A_15 {offsets = [4, 400], sizes = [1, 100], strides = [1, 1]} : vector<8x800xf32> to vector<1x100xf32>
    %add3A_39 = arith.constant 4 : i32
    %add3A_40 = arith.addi %multiple_of3A, %add3A_39 : i32
    %swap3A_41 = arith.index_cast %add3A_40 : i32 to index
    %swap3A_42 = arith.constant 0 : index
    %swap3A_43 = vector.load %arg3[%swap3A_41, %swap3A_42] : memref<256x100xf32, #tpu.memory_space<vmem>>, vector<1x100xf32>
    tpu.vector_store %arg3[%swap3A_41, %swap3A_42], %slice3A_38 {strides = array<i32>} : memref<256x100xf32, #tpu.memory_space<vmem>>, vector<1x100xf32>,
    %slice3A_44 = vector.extract_strided_slice %mul3A_15 {offsets = [5, 500], sizes = [1, 100], strides = [1, 1]} : vector<8x800xf32> to vector<1x100xf32>
    %add3A_45 = arith.constant 5 : i32
    %add3A_46 = arith.addi %multiple_of3A, %add3A_45 : i32
    %swap3A_47 = arith.index_cast %add3A_46 : i32 to index
    %swap3A_48 = arith.constant 0 : index
    %swap3A_49 = vector.load %arg3[%swap3A_47, %swap3A_48] : memref<256x100xf32, #tpu.memory_space<vmem>>, vector<1x100xf32>
    tpu.vector_store %arg3[%swap3A_47, %swap3A_48], %slice3A_44 {strides = array<i32>} : memref<256x100xf32, #tpu.memory_space<vmem>>, vector<1x100xf32>,
    %slice3A_50 = vector.extract_strided_slice %mul3A_15 {offsets = [6, 600], sizes = [1, 100], strides = [1, 1]} : vector<8x800xf32> to vector<1x100xf32>
    %add3A_51 = arith.constant 6 : i32
    %add3A_52 = arith.addi %multiple_of3A, %add3A_51 : i32
    %swap3A_53 = arith.index_cast %add3A_52 : i32 to index
    %swap3A_54 = arith.constant 0 : index
    %swap3A_55 = vector.load %arg3[%swap3A_53, %swap3A_54] : memref<256x100xf32, #tpu.memory_space<vmem>>, vector<1x100xf32>
    tpu.vector_store %arg3[%swap3A_53, %swap3A_54], %slice3A_50 {strides = array<i32>} : memref<256x100xf32, #tpu.memory_space<vmem>>, vector<1x100xf32>,
    %slice3A_56 = vector.extract_strided_slice %mul3A_15 {offsets = [7, 700], sizes = [1, 100], strides = [1, 1]} : vector<8x800xf32> to vector<1x100xf32>
    %add3A_57 = arith.constant 7 : i32
    %add3A_58 = arith.addi %multiple_of3A, %add3A_57 : i32
    %swap3A_59 = arith.index_cast %add3A_58 : i32 to index
    %swap3A_60 = arith.constant 0 : index
    %swap3A_61 = vector.load %arg3[%swap3A_59, %swap3A_60] : memref<256x100xf32, #tpu.memory_space<vmem>>, vector<1x100xf32>
    tpu.vector_store %arg3[%swap3A_59, %swap3A_60], %slice3A_56 {strides = array<i32>} : memref<256x100xf32, #tpu.memory_space<vmem>>, vector<1x100xf32>,
    %get3A_62 = arith.constant 800 : index
    %get3A_63 = arith.constant 0 : index
    %get3A_64 = vector.load %arg1[%get3A_62, %get3A_63] : memref<3200x300xf32, #tpu.memory_space<vmem>>, vector<800x300xf32>
    %mul3A_65 = arith.constant 32 : i32
    %mul3A_66 = arith.muli %arg0, %mul3A_65 : i32
    %add3A_67 = arith.constant 8 : i32
    %add3A_68 = arith.addi %mul3A_66, %add3A_67 : i32
    %multiple_of3A_69 = tpu.assume_multiple %add3A_68, 8 : i32
    %get3A_70 = arith.index_cast %multiple_of3A_69 : i32 to index
    %get3A_71 = arith.constant 0 : index
    %get3A_72 = vector.load %arg2[%get3A_70, %get3A_71] : memref<256x300xf32, #tpu.memory_space<vmem>>, vector<8x300xf32>
    %dot_general3A_73 = arith.constant dense<0.000000e+00> : vector<8x800xf32>
    %dot_general3A_74 = tpu.matmul %get3A_72, %get3A_64, %dot_general3A_73 {dimension_numbers = #tpu.dot_dimension_numbers<[1], [1], [0], [0], [0, 0, 1, 0], [], []>, transpose_lhs_hint = false} : vector<8x300xf32>, vector<800x300xf32>, vector<8x800xf32> -> vector<8x800xf32>
    %mul3A_75 = arith.mulf %get3A_64, %get3A_64 : vector<800x300xf32>
    %dot_general3A_76 = arith.constant dense<0.000000e+00> : vector<1x800xf32>
    %dot_general3A_77 = tpu.matmul %broadcast_in_dim3A_0, %mul3A_75, %dot_general3A_76 {dimension_numbers = #tpu.dot_dimension_numbers<[1], [1], [0], [0], [0, 0, 1, 0], [], []>, transpose_lhs_hint = false} : vector<1x300xf32>, vector<800x300xf32>, vector<1x800xf32> -> vector<1x800xf32>
    %max3A_78 = arith.constant 1.000000e-24 : f32
    %max3A_79 = vector.broadcast %max3A_78 : f32 to vector<1x800xf32>
    %max3A_80 = arith.maximumf %dot_general3A_77, %max3A_79 : vector<1x800xf32>
    %rsqrt3A_81 = math.rsqrt %max3A_80 : vector<1x800xf32>
    %mul3A_82 = vector.broadcast %rsqrt3A_81 : vector<1x800xf32> to vector<8x800xf32>
    %mul3A_83 = arith.mulf %dot_general3A_74, %mul3A_82 : vector<8x800xf32>
    %slice3A_84 = vector.extract_strided_slice %mul3A_83 {offsets = [0, 0], sizes = [1, 100], strides = [1, 1]} : vector<8x800xf32> to vector<1x100xf32>
    %add3A_85 = arith.constant 0 : i32
    %add3A_86 = arith.addi %multiple_of3A_69, %add3A_85 : i32
    %swap3A_87 = arith.index_cast %add3A_86 : i32 to index
    %swap3A_88 = arith.constant 0 : index
    %swap3A_89 = vector.load %arg3[%swap3A_87, %swap3A_88] : memref<256x100xf32, #tpu.memory_space<vmem>>, vector<1x100xf32>
    tpu.vector_store %arg3[%swap3A_87, %swap3A_88], %slice3A_84 {strides = array<i32>} : memref<256x100xf32, #tpu.memory_space<vmem>>, vector<1x100xf32>,
    %slice3A_90 = vector.extract_strided_slice %mul3A_83 {offsets = [1, 100], sizes = [1, 100], strides = [1, 1]} : vector<8x800xf32> to vector<1x100xf32>
    %add3A_91 = arith.constant 1 : i32
    %add3A_92 = arith.addi %multiple_of3A_69, %add3A_91 : i32
    %swap3A_93 = arith.index_cast %add3A_92 : i32 to index
    %swap3A_94 = arith.constant 0 : index
    %swap3A_95 = vector.load %arg3[%swap3A_93, %swap3A_94] : memref<256x100xf32, #tpu.memory_space<vmem>>, vector<1x100xf32>
    tpu.vector_store %arg3[%swap3A_93, %swap3A_94], %slice3A_90 {strides = array<i32>} : memref<256x100xf32, #tpu.memory_space<vmem>>, vector<1x100xf32>,
    %slice3A_96 = vector.extract_strided_slice %mul3A_83 {offsets = [2, 200], sizes = [1, 100], strides = [1, 1]} : vector<8x800xf32> to vector<1x100xf32>
    %add3A_97 = arith.constant 2 : i32
    %add3A_98 = arith.addi %multiple_of3A_69, %add3A_97 : i32
    %swap3A_99 = arith.index_cast %add3A_98 : i32 to index
    %swap3A_100 = arith.constant 0 : index
    %swap3A_101 = vector.load %arg3[%swap3A_99, %swap3A_100] : memref<256x100xf32, #tpu.memory_space<vmem>>, vector<1x100xf32>
    tpu.vector_store %arg3[%swap3A_99, %swap3A_100], %slice3A_96 {strides = array<i32>} : memref<256x100xf32, #tpu.memory_space<vmem>>, vector<1x100xf32>,
    %slice3A_102 = vector.extract_strided_slice %mul3A_83 {offsets = [3, 300], sizes = [1, 100], strides = [1, 1]} : vector<8x800xf32> to vector<1x100xf32>
    %add3A_103 = arith.constant 3 : i32
    %add3A_104 = arith.addi %multiple_of3A_69, %add3A_103 : i32
    %swap3A_105 = arith.index_cast %add3A_104 : i32 to index
    %swap3A_106 = arith.constant 0 : index
    %swap3A_107 = vector.load %arg3[%swap3A_105, %swap3A_106] : memref<256x100xf32, #tpu.memory_space<vmem>>, vector<1x100xf32>
    tpu.vector_store %arg3[%swap3A_105, %swap3A_106], %slice3A_102 {strides = array<i32>} : memref<256x100xf32, #tpu.memory_space<vmem>>, vector<1x100xf32>,
    %slice3A_108 = vector.extract_strided_slice %mul3A_83 {offsets = [4, 400], sizes = [1, 100], strides = [1, 1]} : vector<8x800xf32> to vector<1x100xf32>
    %add3A_109 = arith.constant 4 : i32
    %add3A_110 = arith.addi %multiple_of3A_69, %add3A_109 : i32
    %swap3A_111 = arith.index_cast %add3A_110 : i32 to index
    %swap3A_112 = arith.constant 0 : index
    %swap3A_113 = vector.load %arg3[%swap3A_111, %swap3A_112] : memref<256x100xf32, #tpu.memory_space<vmem>>, vector<1x100xf32>
    tpu.vector_store %arg3[%swap3A_111, %swap3A_112], %slice3A_108 {strides = array<i32>} : memref<256x100xf32, #tpu.memory_space<vmem>>, vector<1x100xf32>,
    %slice3A_114 = vector.extract_strided_slice %mul3A_83 {offsets = [5, 500], sizes = [1, 100], strides = [1, 1]} : vector<8x800xf32> to vector<1x100xf32>
    %add3A_115 = arith.constant 5 : i32
    %add3A_116 = arith.addi %multiple_of3A_69, %add3A_115 : i32
    %swap3A_117 = arith.index_cast %add3A_116 : i32 to index
    %swap3A_118 = arith.constant 0 : index
    %swap3A_119 = vector.load %arg3[%swap3A_117, %swap3A_118] : memref<256x100xf32, #tpu.memory_space<vmem>>, vector<1x100xf32>
    tpu.vector_store %arg3[%swap3A_117, %swap3A_118], %slice3A_114 {strides = array<i32>} : memref<256x100xf32, #tpu.memory_space<vmem>>, vector<1x100xf32>,
    %slice3A_120 = vector.extract_strided_slice %mul3A_83 {offsets = [6, 600], sizes = [1, 100], strides = [1, 1]} : vector<8x800xf32> to vector<1x100xf32>
    %add3A_121 = arith.constant 6 : i32
    %add3A_122 = arith.addi %multiple_of3A_69, %add3A_121 : i32
    %swap3A_123 = arith.index_cast %add3A_122 : i32 to index
    %swap3A_124 = arith.constant 0 : index
    %swap3A_125 = vector.load %arg3[%swap3A_123, %swap3A_124] : memref<256x100xf32, #tpu.memory_space<vmem>>, vector<1x100xf32>
    tpu.vector_store %arg3[%swap3A_123, %swap3A_124], %slice3A_120 {strides = array<i32>} : memref<256x100xf32, #tpu.memory_space<vmem>>, vector<1x100xf32>,
    %slice3A_126 = vector.extract_strided_slice %mul3A_83 {offsets = [7, 700], sizes = [1, 100], strides = [1, 1]} : vector<8x800xf32> to vector<1x100xf32>
    %add3A_127 = arith.constant 7 : i32
    %add3A_128 = arith.addi %multiple_of3A_69, %add3A_127 : i32
    %swap3A_129 = arith.index_cast %add3A_128 : i32 to index
    %swap3A_130 = arith.constant 0 : index
    %swap3A_131 = vector.load %arg3[%swap3A_129, %swap3A_130] : memref<256x100xf32, #tpu.memory_space<vmem>>, vector<1x100xf32>
    tpu.vector_store %arg3[%swap3A_129, %swap3A_130], %slice3A_126 {strides = array<i32>} : memref<256x100xf32, #tpu.memory_space<vmem>>, vector<1x100xf32>,
    %get3A_132 = arith.constant 1600 : index
    %get3A_133 = arith.constant 0 : index
    %get3A_134 = vector.load %arg1[%get3A_132, %get3A_133] : memref<3200x300xf32, #tpu.memory_space<vmem>>, vector<800x300xf32>
    %mul3A_135 = arith.constant 32 : i32
    %mul3A_136 = arith.muli %arg0, %mul3A_135 : i32
    %add3A_137 = arith.constant 16 : i32
    %add3A_138 = arith.addi %mul3A_136, %add3A_137 : i32
    %multiple_of3A_139 = tpu.assume_multiple %add3A_138, 8 : i32
    %get3A_140 = arith.index_cast %multiple_of3A_139 : i32 to index
    %get3A_141 = arith.constant 0 : index
    %get3A_142 = vector.load %arg2[%get3A_140, %get3A_141] : memref<256x300xf32, #tpu.memory_space<vmem>>, vector<8x300xf32>
    %dot_general3A_143 = arith.constant dense<0.000000e+00> : vector<8x800xf32>
    %dot_general3A_144 = tpu.matmul %get3A_142, %get3A_134, %dot_general3A_143 {dimension_numbers = #tpu.dot_dimension_numbers<[1], [1], [0], [0], [0, 0, 1, 0], [], []>, transpose_lhs_hint = false} : vector<8x300xf32>, vector<800x300xf32>, vector<8x800xf32> -> vector<8x800xf32>
    %mul3A_145 = arith.mulf %get3A_134, %get3A_134 : vector<800x300xf32>
    %dot_general3A_146 = arith.constant dense<0.000000e+00> : vector<1x800xf32>
    %dot_general3A_147 = tpu.matmul %broadcast_in_dim3A_0, %mul3A_145, %dot_general3A_146 {dimension_numbers = #tpu.dot_dimension_numbers<[1], [1], [0], [0], [0, 0, 1, 0], [], []>, transpose_lhs_hint = false} : vector<1x300xf32>, vector<800x300xf32>, vector<1x800xf32> -> vector<1x800xf32>
    %max3A_148 = arith.constant 1.000000e-24 : f32
    %max3A_149 = vector.broadcast %max3A_148 : f32 to vector<1x800xf32>
    %max3A_150 = arith.maximumf %dot_general3A_147, %max3A_149 : vector<1x800xf32>
    %rsqrt3A_151 = math.rsqrt %max3A_150 : vector<1x800xf32>
    %mul3A_152 = vector.broadcast %rsqrt3A_151 : vector<1x800xf32> to vector<8x800xf32>
    %mul3A_153 = arith.mulf %dot_general3A_144, %mul3A_152 : vector<8x800xf32>
    %slice3A_154 = vector.extract_strided_slice %mul3A_153 {offsets = [0, 0], sizes = [1, 100], strides = [1, 1]} : vector<8x800xf32> to vector<1x100xf32>
    %add3A_155 = arith.constant 0 : i32
    %add3A_156 = arith.addi %multiple_of3A_139, %add3A_155 : i32
    %swap3A_157 = arith.index_cast %add3A_156 : i32 to index
    %swap3A_158 = arith.constant 0 : index
    %swap3A_159 = vector.load %arg3[%swap3A_157, %swap3A_158] : memref<256x100xf32, #tpu.memory_space<vmem>>, vector<1x100xf32>
    tpu.vector_store %arg3[%swap3A_157, %swap3A_158], %slice3A_154 {strides = array<i32>} : memref<256x100xf32, #tpu.memory_space<vmem>>, vector<1x100xf32>,
    %slice3A_160 = vector.extract_strided_slice %mul3A_153 {offsets = [1, 100], sizes = [1, 100], strides = [1, 1]} : vector<8x800xf32> to vector<1x100xf32>
    %add3A_161 = arith.constant 1 : i32
    %add3A_162 = arith.addi %multiple_of3A_139, %add3A_161 : i32
    %swap3A_163 = arith.index_cast %add3A_162 : i32 to index
    %swap3A_164 = arith.constant 0 : index
    %swap3A_165 = vector.load %arg3[%swap3A_163, %swap3A_164] : memref<256x100xf32, #tpu.memory_space<vmem>>, vector<1x100xf32>
    tpu.vector_store %arg3[%swap3A_163, %swap3A_164], %slice3A_160 {strides = array<i32>} : memref<256x100xf32, #tpu.memory_space<vmem>>, vector<1x100xf32>,
    %slice3A_166 = vector.extract_strided_slice %mul3A_153 {offsets = [2, 200], sizes = [1, 100], strides = [1, 1]} : vector<8x800xf32> to vector<1x100xf32>
    %add3A_167 = arith.constant 2 : i32
    %add3A_168 = arith.addi %multiple_of3A_139, %add3A_167 : i32
    %swap3A_169 = arith.index_cast %add3A_168 : i32 to index
    %swap3A_170 = arith.constant 0 : index
    %swap3A_171 = vector.load %arg3[%swap3A_169, %swap3A_170] : memref<256x100xf32, #tpu.memory_space<vmem>>, vector<1x100xf32>
    tpu.vector_store %arg3[%swap3A_169, %swap3A_170], %slice3A_166 {strides = array<i32>} : memref<256x100xf32, #tpu.memory_space<vmem>>, vector<1x100xf32>,
    %slice3A_172 = vector.extract_strided_slice %mul3A_153 {offsets = [3, 300], sizes = [1, 100], strides = [1, 1]} : vector<8x800xf32> to vector<1x100xf32>
    %add3A_173 = arith.constant 3 : i32
    %add3A_174 = arith.addi %multiple_of3A_139, %add3A_173 : i32
    %swap3A_175 = arith.index_cast %add3A_174 : i32 to index
    %swap3A_176 = arith.constant 0 : index
    %swap3A_177 = vector.load %arg3[%swap3A_175, %swap3A_176] : memref<256x100xf32, #tpu.memory_space<vmem>>, vector<1x100xf32>
    tpu.vector_store %arg3[%swap3A_175, %swap3A_176], %slice3A_172 {strides = array<i32>} : memref<256x100xf32, #tpu.memory_space<vmem>>, vector<1x100xf32>,
    %slice3A_178 = vector.extract_strided_slice %mul3A_153 {offsets = [4, 400], sizes = [1, 100], strides = [1, 1]} : vector<8x800xf32> to vector<1x100xf32>
    %add3A_179 = arith.constant 4 : i32
    %add3A_180 = arith.addi %multiple_of3A_139, %add3A_179 : i32
    %swap3A_181 = arith.index_cast %add3A_180 : i32 to index
    %swap3A_182 = arith.constant 0 : index
    %swap3A_183 = vector.load %arg3[%swap3A_181, %swap3A_182] : memref<256x100xf32, #tpu.memory_space<vmem>>, vector<1x100xf32>
    tpu.vector_store %arg3[%swap3A_181, %swap3A_182], %slice3A_178 {strides = array<i32>} : memref<256x100xf32, #tpu.memory_space<vmem>>, vector<1x100xf32>,
    %slice3A_184 = vector.extract_strided_slice %mul3A_153 {offsets = [5, 500], sizes = [1, 100], strides = [1, 1]} : vector<8x800xf32> to vector<1x100xf32>
    %add3A_185 = arith.constant 5 : i32
    %add3A_186 = arith.addi %multiple_of3A_139, %add3A_185 : i32
    %swap3A_187 = arith.index_cast %add3A_186 : i32 to index
    %swap3A_188 = arith.constant 0 : index
    %swap3A_189 = vector.load %arg3[%swap3A_187, %swap3A_188] : memref<256x100xf32, #tpu.memory_space<vmem>>, vector<1x100xf32>
    tpu.vector_store %arg3[%swap3A_187, %swap3A_188], %slice3A_184 {strides = array<i32>} : memref<256x100xf32, #tpu.memory_space<vmem>>, vector<1x100xf32>,
    %slice3A_190 = vector.extract_strided_slice %mul3A_153 {offsets = [6, 600], sizes = [1, 100], strides = [1, 1]} : vector<8x800xf32> to vector<1x100xf32>
    %add3A_191 = arith.constant 6 : i32
    %add3A_192 = arith.addi %multiple_of3A_139, %add3A_191 : i32
    %swap3A_193 = arith.index_cast %add3A_192 : i32 to index
    %swap3A_194 = arith.constant 0 : index
    %swap3A_195 = vector.load %arg3[%swap3A_193, %swap3A_194] : memref<256x100xf32, #tpu.memory_space<vmem>>, vector<1x100xf32>
    tpu.vector_store %arg3[%swap3A_193, %swap3A_194], %slice3A_190 {strides = array<i32>} : memref<256x100xf32, #tpu.memory_space<vmem>>, vector<1x100xf32>,
    %slice3A_196 = vector.extract_strided_slice %mul3A_153 {offsets = [7, 700], sizes = [1, 100], strides = [1, 1]} : vector<8x800xf32> to vector<1x100xf32>
    %add3A_197 = arith.constant 7 : i32
    %add3A_198 = arith.addi %multiple_of3A_139, %add3A_197 : i32
    %swap3A_199 = arith.index_cast %add3A_198 : i32 to index
    %swap3A_200 = arith.constant 0 : index
    %swap3A_201 = vector.load %arg3[%swap3A_199, %swap3A_200] : memref<256x100xf32, #tpu.memory_space<vmem>>, vector<1x100xf32>
    tpu.vector_store %arg3[%swap3A_199, %swap3A_200], %slice3A_196 {strides = array<i32>} : memref<256x100xf32, #tpu.memory_space<vmem>>, vector<1x100xf32>,
    %get3A_202 = arith.constant 2400 : index
    %get3A_203 = arith.constant 0 : index
    %get3A_204 = vector.load %arg1[%get3A_202, %get3A_203] : memref<3200x300xf32, #tpu.memory_space<vmem>>, vector<800x300xf32>
    %mul3A_205 = arith.constant 32 : i32
    %mul3A_206 = arith.muli %arg0, %mul3A_205 : i32
    %add3A_207 = arith.constant 24 : i32
    %add3A_208 = arith.addi %mul3A_206, %add3A_207 : i32
    %multiple_of3A_209 = tpu.assume_multiple %add3A_208, 8 : i32
    %get3A_210 = arith.index_cast %multiple_of3A_209 : i32 to index
    %get3A_211 = arith.constant 0 : index
    %get3A_212 = vector.load %arg2[%get3A_210, %get3A_211] : memref<256x300xf32, #tpu.memory_space<vmem>>, vector<8x300xf32>
    %dot_general3A_213 = arith.constant dense<0.000000e+00> : vector<8x800xf32>
    %dot_general3A_214 = tpu.matmul %get3A_212, %get3A_204, %dot_general3A_213 {dimension_numbers = #tpu.dot_dimension_numbers<[1], [1], [0], [0], [0, 0, 1, 0], [], []>, transpose_lhs_hint = false} : vector<8x300xf32>, vector<800x300xf32>, vector<8x800xf32> -> vector<8x800xf32>
    %mul3A_215 = arith.mulf %get3A_204, %get3A_204 : vector<800x300xf32>
    %dot_general3A_216 = arith.constant dense<0.000000e+00> : vector<1x800xf32>
    %dot_general3A_217 = tpu.matmul %broadcast_in_dim3A_0, %mul3A_215, %dot_general3A_216 {dimension_numbers = #tpu.dot_dimension_numbers<[1], [1], [0], [0], [0, 0, 1, 0], [], []>, transpose_lhs_hint = false} : vector<1x300xf32>, vector<800x300xf32>, vector<1x800xf32> -> vector<1x800xf32>
    %max3A_218 = arith.constant 1.000000e-24 : f32
    %max3A_219 = vector.broadcast %max3A_218 : f32 to vector<1x800xf32>
    %max3A_220 = arith.maximumf %dot_general3A_217, %max3A_219 : vector<1x800xf32>
    %rsqrt3A_221 = math.rsqrt %max3A_220 : vector<1x800xf32>
    %mul3A_222 = vector.broadcast %rsqrt3A_221 : vector<1x800xf32> to vector<8x800xf32>
    %mul3A_223 = arith.mulf %dot_general3A_214, %mul3A_222 : vector<8x800xf32>
    %slice3A_224 = vector.extract_strided_slice %mul3A_223 {offsets = [0, 0], sizes = [1, 100], strides = [1, 1]} : vector<8x800xf32> to vector<1x100xf32>
    %add3A_225 = arith.constant 0 : i32
    %add3A_226 = arith.addi %multiple_of3A_209, %add3A_225 : i32
    %swap3A_227 = arith.index_cast %add3A_226 : i32 to index
    %swap3A_228 = arith.constant 0 : index
    %swap3A_229 = vector.load %arg3[%swap3A_227, %swap3A_228] : memref<256x100xf32, #tpu.memory_space<vmem>>, vector<1x100xf32>
    tpu.vector_store %arg3[%swap3A_227, %swap3A_228], %slice3A_224 {strides = array<i32>} : memref<256x100xf32, #tpu.memory_space<vmem>>, vector<1x100xf32>,
    %slice3A_230 = vector.extract_strided_slice %mul3A_223 {offsets = [1, 100], sizes = [1, 100], strides = [1, 1]} : vector<8x800xf32> to vector<1x100xf32>
    %add3A_231 = arith.constant 1 : i32
    %add3A_232 = arith.addi %multiple_of3A_209, %add3A_231 : i32
    %swap3A_233 = arith.index_cast %add3A_232 : i32 to index
    %swap3A_234 = arith.constant 0 : index
    %swap3A_235 = vector.load %arg3[%swap3A_233, %swap3A_234] : memref<256x100xf32, #tpu.memory_space<vmem>>, vector<1x100xf32>
    tpu.vector_store %arg3[%swap3A_233, %swap3A_234], %slice3A_230 {strides = array<i32>} : memref<256x100xf32, #tpu.memory_space<vmem>>, vector<1x100xf32>,
    %slice3A_236 = vector.extract_strided_slice %mul3A_223 {offsets = [2, 200], sizes = [1, 100], strides = [1, 1]} : vector<8x800xf32> to vector<1x100xf32>
    %add3A_237 = arith.constant 2 : i32
    %add3A_238 = arith.addi %multiple_of3A_209, %add3A_237 : i32
    %swap3A_239 = arith.index_cast %add3A_238 : i32 to index
    %swap3A_240 = arith.constant 0 : index
    %swap3A_241 = vector.load %arg3[%swap3A_239, %swap3A_240] : memref<256x100xf32, #tpu.memory_space<vmem>>, vector<1x100xf32>
    tpu.vector_store %arg3[%swap3A_239, %swap3A_240], %slice3A_236 {strides = array<i32>} : memref<256x100xf32, #tpu.memory_space<vmem>>, vector<1x100xf32>,
    %slice3A_242 = vector.extract_strided_slice %mul3A_223 {offsets = [3, 300], sizes = [1, 100], strides = [1, 1]} : vector<8x800xf32> to vector<1x100xf32>
    %add3A_243 = arith.constant 3 : i32
    %add3A_244 = arith.addi %multiple_of3A_209, %add3A_243 : i32
    %swap3A_245 = arith.index_cast %add3A_244 : i32 to index
    %swap3A_246 = arith.constant 0 : index
    %swap3A_247 = vector.load %arg3[%swap3A_245, %swap3A_246] : memref<256x100xf32, #tpu.memory_space<vmem>>, vector<1x100xf32>
    tpu.vector_store %arg3[%swap3A_245, %swap3A_246], %slice3A_242 {strides = array<i32>} : memref<256x100xf32, #tpu.memory_space<vmem>>, vector<1x100xf32>,
    %slice3A_248 = vector.extract_strided_slice %mul3A_223 {offsets = [4, 400], sizes = [1, 100], strides = [1, 1]} : vector<8x800xf32> to vector<1x100xf32>
    %add3A_249 = arith.constant 4 : i32
    %add3A_250 = arith.addi %multiple_of3A_209, %add3A_249 : i32
    %swap3A_251 = arith.index_cast %add3A_250 : i32 to index
    %swap3A_252 = arith.constant 0 : index
    %swap3A_253 = vector.load %arg3[%swap3A_251, %swap3A_252] : memref<256x100xf32, #tpu.memory_space<vmem>>, vector<1x100xf32>
    tpu.vector_store %arg3[%swap3A_251, %swap3A_252], %slice3A_248 {strides = array<i32>} : memref<256x100xf32, #tpu.memory_space<vmem>>, vector<1x100xf32>,
    %slice3A_254 = vector.extract_strided_slice %mul3A_223 {offsets = [5, 500], sizes = [1, 100], strides = [1, 1]} : vector<8x800xf32> to vector<1x100xf32>
    %add3A_255 = arith.constant 5 : i32
    %add3A_256 = arith.addi %multiple_of3A_209, %add3A_255 : i32
    %swap3A_257 = arith.index_cast %add3A_256 : i32 to index
    %swap3A_258 = arith.constant 0 : index
    %swap3A_259 = vector.load %arg3[%swap3A_257, %swap3A_258] : memref<256x100xf32, #tpu.memory_space<vmem>>, vector<1x100xf32>
    tpu.vector_store %arg3[%swap3A_257, %swap3A_258], %slice3A_254 {strides = array<i32>} : memref<256x100xf32, #tpu.memory_space<vmem>>, vector<1x100xf32>,
    %slice3A_260 = vector.extract_strided_slice %mul3A_223 {offsets = [6, 600], sizes = [1, 100], strides = [1, 1]} : vector<8x800xf32> to vector<1x100xf32>
    %add3A_261 = arith.constant 6 : i32
    %add3A_262 = arith.addi %multiple_of3A_209, %add3A_261 : i32
    %swap3A_263 = arith.index_cast %add3A_262 : i32 to index
    %swap3A_264 = arith.constant 0 : index
    %swap3A_265 = vector.load %arg3[%swap3A_263, %swap3A_264] : memref<256x100xf32, #tpu.memory_space<vmem>>, vector<1x100xf32>
    tpu.vector_store %arg3[%swap3A_263, %swap3A_264], %slice3A_260 {strides = array<i32>} : memref<256x100xf32, #tpu.memory_space<vmem>>, vector<1x100xf32>,
    %slice3A_266 = vector.extract_strided_slice %mul3A_223 {offsets = [7, 700], sizes = [1, 100], strides = [1, 1]} : vector<8x800xf32> to vector<1x100xf32>
    %add3A_267 = arith.constant 7 : i32
    %add3A_268 = arith.addi %multiple_of3A_209, %add3A_267 : i32
    %swap3A_269 = arith.index_cast %add3A_268 : i32 to index
    %swap3A_270 = arith.constant 0 : index
    %swap3A_271 = vector.load %arg3[%swap3A_269, %swap3A_270] : memref<256x100xf32, #tpu.memory_space<vmem>>, vector<1x100xf32>
    tpu.vector_store %arg3[%swap3A_269, %swap3A_270], %slice3A_266 {strides = array<i32>} : memref<256x100xf32, #tpu.memory_space<vmem>>, vector<1x100xf32>,
    return
  }
  func.func @transform_0(%arg0: i32) -> (i32, i32) {
    %add3A = arith.constant 0 : i32
    %add3A_0 = arith.addi %add3A, %arg0 : i32
    %c0_i32 = arith.constant 0 : i32
    %c0_i32_1 = arith.constant 0 : i32
    return %add3A_0, %c0_i32 : i32, i32
  }
  func.func @transform_1(%arg0: i32) -> (i32, i32) {
    %c0_i32 = arith.constant 0 : i32
    %c0_i32_0 = arith.constant 0 : i32
    %c0_i32_1 = arith.constant 0 : i32
    return %c0_i32, %c0_i32_0 : i32, i32
  }
  func.func @transform_2(%arg0: i32) -> (i32, i32) {
    %c0_i32 = arith.constant 0 : i32
    %c0_i32_0 = arith.constant 0 : i32
    %c0_i32_1 = arith.constant 0 : i32
    return %c0_i32, %c0_i32_0 : i32, i32
  }
}

</mosaic_0001>

<sc_bundles>
// kernel: kernel.10.cloned.1.call-start
scs
__scs_entry_jumppad:
0x0: {  	(pc) =	sbr.rel $0x88, $3  }
0x1: {  	(tag) =	ssettag $0x0;
	lr =	simm.s32 $0x1  }
0x2: {  	[smem:$0x3F9E] =	sst lr;
	_ =	strace $0xD0000000  }
0x3: {  	_ = 	snop  }
0x4: {  	_ = 	snop  }
0x5: {  	_ = 	snop  }
0x6: {  	_ = 	snop  }
0x7: {  	_ = 	snop  }
__scs_overlays_trampoline_lowered:
0x8: {  	[smem:$0x3FAD] =	sst s0  }
0x9: {  	[smem:$0x3FAE] =	sst s1  }
0xa: {  	[smem:$0x3FAF] =	sst s2  }
0xb: {  	[smem:$0x3FB0] =	sst s3  }
0xc: {  	[smem:$0x3FB1] =	sst s4  }
0xd: {  	[smem:$0x3FB2] =	sst s5  }
0xe: {  	[smem:$0x3FB3] =	sst s6  }
0xf: {  	[smem:$0x3FB4] =	sst s7  }
0x10: {  	[smem:$0x3FB5] =	sst s8  }
0x11: {  	[smem:$0x3FB6] =	sst s9;
	s0 =	simm.s32 @!p0 $0x0  }
0x12: {  	s1 =	sld [smem:$0x3F9C];
	s0 =	simm.s32 @p0 $0x1  }
0x13: {  	[smem:$0x3FB7] =	sst s0;
	s0 =	simm.s32 @!p1 $0x0  }
0x14: {  	s2 =	sld [smem:$0x3F9B];
	s0 =	simm.s32 @p1 $0x1  }
0x15: {  	[smem:$0x3FB8] =	sst s0;
	s0 =	simm.s32 @!p2 $0x0  }
0x16: {  	s3 =	sld [smem:$0x3FDB];
	s0 =	simm.s32 @p2 $0x1  }
0x17: {  	s4 =	simm.s32 $0x1BF5;
	[smem:$0x3FBA] =	sst s0  }
0x18: {  	s0 =	sld [smem:$0x3F9D];
	_ =	swait.ge [sflag:s4], $0x0  }
0x19: {  	s7 =	sld [smem:$0x3F9E]  }
0x1a: {  	s8 =	sadd.s32 $0xFFFFE003, lr  }
0x1b: {  	s9 =	sadd.s32 $0xFFFFFEF7, lr;
	s5 =	simm.s32 $0xFFFFFFFF;
	p2 =	slt.u32 s8, $0xFFFFF086  }
0x1c: {  	p1 =	slt.u32 s9, $0xF7A;
	s5 =	simm.s32 @!p2 $0x0  }
0x1d: {  	s5 =	simm.s32 @p1 $0x1;
	p0 =	seq.s32 s7, s2  }
0x1e: {  	s7 =	smul.u32 @!p0 $0xF7A, s2;
	p2 =	seq.s32 @!p0 s5, $0x0  }
0x1f: {  	s9 =	smul.u32 $0xF7A, s1;
	s8 =	simm.s32 @!p0 $0x1BF5;
	p2 =	por !p2, p0  }
0x20: {  	[sflag:s8] =	ssyncset.s32 @!p0 $0xFFFFF086;
	s6 =	sadd.s32 @!p0 s3, s7;
	s7 =	simm.s32 @!p0 $0x108  }
0x21: {  	s3 =	sadd.s32 s3, s9;
	s6 =	sadd.s32 @!p0 $0x88, s6;
	s7 =	simm.s32 @p2 $0x1082  }
0x22: {  	[simem:s7], [sflag:s8] =	dma.local @!p0 [hbm:s6], $0xF7A  }
0x23: {  	s9 =	sor.u32 $0xD0000000, s2;
	s6 =	simm.s32 $0x108;
	_ =	swait.ge @!p0 [sflag:s8], $0x0  }
0x24: {  	s3 =	sadd.s32 $0x88, s3;
	s6 =	simm.s32 @!p1 $0x1082;
	[sflag:s4] =	ssyncset.s32 $0xFFFFF086  }
0x25: {  	[simem:s6], [sflag:s4] =	dma.local [hbm:s3], $0xF7A  }
0x26: {  	[smem:$0x3F9E] =	sst s1;
	(tag) =	ssettag s2;
	_ =	strace s9  }
0x27: {  	s1 =	sld [smem:$0x3FAE]  }
0x28: {  	s2 =	sld [smem:$0x3FAF]  }
0x29: {  	s4 =	sld [smem:$0x3FB1]  }
0x2a: {  	p0 =	seq.s32 s5, $0x0;
	s5 =	sld [smem:$0x3FB2]  }
0x2b: {  	s6 =	sld [smem:$0x3FB3]  }
0x2c: {  	s7 =	sld [smem:$0x3FB4]  }
0x2d: {  	s3 =	simm.s32 $0x108;
	s8 =	sld [smem:$0x3FB5]  }
0x2e: {  	s3 =	simm.s32 @!p0 $0x1082;
	s9 =	sld [smem:$0x3FB6]  }
0x2f: {  	lr =	sadd.s32 s0, s3;
	s0 =	sld [smem:$0x3FAD]  }
0x30: {  	s3 =	sld [smem:$0x3FB0]  }
0x31: {  	[smem:$0x3FB9] =	sst s10  }
0x32: {  	s10 =	sld [smem:$0x3FB7];
	_ =	sdelay $0x3  }
0x33: {  	p0 =	seq.s32 s10, $0x1;
	s10 =	sld [smem:$0x3FB9];
	_ =	sdelay $0x3  }
0x34: {  	[smem:$0x3FB9] =	sst s10  }
0x35: {  	s10 =	sld [smem:$0x3FB8];
	_ =	sdelay $0x3  }
0x36: {  	p1 =	seq.s32 s10, $0x1;
	s10 =	sld [smem:$0x3FB9];
	_ =	sdelay $0x3  }
0x37: {  	[smem:$0x3FB9] =	sst s10  }
0x38: {  	s10 =	sld [smem:$0x3FBA]  }
0x39: {  	_ = 	snop;
	(pc) =	sbr.ind lr, $3  }
0x3a: {  	_ = 	snop  }
0x3b: {  	_ = 	snop  }
0x3c: {  	p2 =	seq.s32 s10, $0x1;
	s10 =	sld [smem:$0x3FB9]  }
0x3d: {  	_ =	shalt  }
0x3e: {  	_ =	shalt  }
0x3f: {  	_ =	shalt  }
0x40: {  	_ =	shalt  }
0x41: {  	_ =	shalt  }
0x42: {  	_ =	shalt  }
0x43: {  	_ =	shalt  }
0x44: {  	_ =	shalt  }
0x45: {  	_ =	shalt  }
0x46: {  	_ =	shalt  }
0x47: {  	_ =	shalt  }
0x48: {  	_ =	shalt  }
0x49: {  	_ =	shalt  }
0x4a: {  	_ =	shalt  }
0x4b: {  	_ =	shalt  }
0x4c: {  	_ =	shalt  }
0x4d: {  	_ =	shalt  }
0x4e: {  	_ =	shalt  }
0x4f: {  	_ =	shalt  }
0x50: {  	_ =	shalt  }
0x51: {  	_ =	shalt  }
0x52: {  	_ =	shalt  }
0x53: {  	_ =	shalt  }
0x54: {  	_ =	shalt  }
0x55: {  	_ =	shalt  }
0x56: {  	_ =	shalt  }
0x57: {  	_ =	shalt  }
0x58: {  	_ =	shalt  }
0x59: {  	_ =	shalt  }
0x5a: {  	_ =	shalt  }
0x5b: {  	_ =	shalt  }
0x5c: {  	_ =	shalt  }
0x5d: {  	_ =	shalt  }
0x5e: {  	_ =	shalt  }
0x5f: {  	_ =	shalt  }
0x60: {  	_ =	shalt  }
0x61: {  	_ =	shalt  }
0x62: {  	_ =	shalt  }
0x63: {  	_ =	shalt  }
0x64: {  	_ =	shalt  }
0x65: {  	_ =	shalt  }
0x66: {  	_ =	shalt  }
0x67: {  	_ =	shalt  }
0x68: {  	_ =	shalt  }
0x69: {  	_ =	shalt  }
0x6a: {  	_ =	shalt  }
0x6b: {  	_ =	shalt  }
0x6c: {  	_ =	shalt  }
0x6d: {  	_ =	shalt  }
0x6e: {  	_ =	shalt  }
0x6f: {  	_ =	shalt  }
0x70: {  	_ =	shalt  }
0x71: {  	_ =	shalt  }
0x72: {  	_ =	shalt  }
0x73: {  	_ =	shalt  }
0x74: {  	_ =	shalt  }
0x75: {  	_ =	shalt  }
0x76: {  	_ =	shalt  }
0x77: {  	_ =	shalt  }
0x78: {  	_ =	shalt  }
0x79: {  	_ =	shalt  }
0x7a: {  	_ =	shalt  }
0x7b: {  	_ =	shalt  }
0x7c: {  	_ =	shalt  }
0x7d: {  	_ =	shalt  }
0x7e: {  	_ =	shalt  }
0x7f: {  	_ =	shalt  }
0x80: {  	_ =	shalt  }
0x81: {  	_ =	shalt  }
0x82: {  	_ =	shalt  }
0x83: {  	_ =	shalt  }
0x84: {  	_ =	shalt  }
0x85: {  	_ =	shalt  }
0x86: {  	_ =	shalt  }
0x87: {  	_ =	shalt  }
.Lfunc_end0:
.L_simem_size_0:
called_computation_lowered:
.L_overlay_start_0:
0x88: {  	s2 =	sld [smem:$0x3FD9]  }
0x89: {  	s3 =	sld [smem:$0x3FFE];
	_ =	sdelay $0x1  }
0x8a: {  	s1 =	srdreg.scid  }
0x8b: {  	s0 =	sand.u32 $0x1, s1  }
0x8c: {  	s20 =	sshll.u32 s0, $0xA;
	s2 =	sadd.s32 s3, s2  }
0x8d: {  	s2 =	sadd.s32 s2, s20  }
0x8e: {  	s4 =	simm.s32 $0x0;
	[smem:$0x3FC5] =	sst s2  }
0x8f: {  	[smem:$0xF] =	sst s4  }
0x90: {  	s2 =	sld [smem:$0x3FD0];
	(tm) =	ssettm $0x1  }
0x91: {  	s21 =	sld [smem:$0x3FFB];
	_ =	sdelay $0x3  }
0x92: {  	_ =	strace s21  }
0x93: {  	s3 =	sld [smem:$0x3FFC];
	_ =	sdelay $0x3  }
0x94: {  	_ =	strace s3  }
0x95: {  	s3 =	sld [smem:$0x3FFD];
	_ =	sdelay $0x3  }
0x96: {  	_ =	strace s3  }
0x97: {  	s22 =	simm.s32 $0x1B8B;
	_ =	strace $0x8FFFFFFF  }
0x98: {  	_ =	swait.ge [sflag:s22], $0x1  }
0x99: {  	[sflag:s22] =	ssyncset.done $0x0  }
0x9a: {  	[sflag:s22] =	ssyncadd.s32 $0xFFFFFFFF  }
0x9b: {  	s3 =	sld [smem:$0x0]  }
0x9c: {  	s5 =	sand.u32 $0xFFFFFFFE, s1  }
0x9d: {  	p0 =	sne.s32 s1, s5  }
0x9e: {  	s5 =	sshll.u32 @p0 s5, $0xE  }
0x9f: {  	s5 =	sadd.s32 @p0 $0x11B8D, s5;
	s6 =	sshll.u32 @p0 s3, $0x11  }
0xa0: {  	s5 =	sor.u32 @p0 s6, s5  }
0xa1: {  	[sflag:s5] =	ssyncadd.remote.s32 @p0 $0x1;
	_ =	sdelay $0x1  }
0xa2: {  	s5 =	simm.s32 @p0 $0x1B8D  }
0xa3: {  	_ =	swait.eq @p0 [sflag:s5], $0x1  }
0xa4: {  	[sflag:s5] =	ssyncadd.s32 @p0 $0xFFFFFFFF;
	_ =	sdelay $0x1  }
0xa5: {  	s6 =	sshll.u32 @!p0 s1, $0xE;
	s5 =	simm.s32 @!p0 $0x1B8D  }
0xa6: {  	s6 =	sor.u32 @!p0 $0x4000, s6;
	_ =	swait.eq @!p0 [sflag:s5], $0x1  }
0xa7: {  	s3 =	sshll.u32 @!p0 s3, $0x11;
	s6 =	sadd.s32 @!p0 $0x11B8D, s6;
	s23 =	sld [smem:$0x3FFE]  }
0xa8: {  	s3 =	sor.u32 @!p0 s3, s6;
	[sflag:s5] =	ssyncadd.s32 @!p0 $0xFFFFFFFF  }
0xa9: {  	s24 =	simm.s32 $0x1B8E;
	[sflag:s3] =	ssyncadd.remote.s32 @!p0 $0x1  }
0xaa: {  	s7 =	simm.s32 $0x9;
	[smem:$0x3FD2] =	sst s24  }
0xab: {  	s26 =	simm.s32 $0x10;
	_ =	strace $0x80000049;
	s25 =	sadd.s32 $0x2000, s23  }
0xac: {  	[smem:s26], [sflag:s7] =	dma.local [hbm:s25], $0x20  }
0xad: {  	_ =	swait.ge [sflag:s7], $0x20  }
0xae: {  	s5 =	sshll.u32 s0, $0x7;
	[sflag:s7] =	ssyncset.done $0x0  }
0xaf: {  	s8 =	sor.u32 $0x10, s5;
	[sflag:s7] =	ssyncadd.s32 $0xFFFFFFE0  }
0xb0: {  	s28 =	sld [smem:s8+$0x0];
	_ =	sdelay $0x2  }
0xb1: {  	s29 =	sshrl.u32 s5, $0x3  }
0xb2: {  	s7 =	smul.u32 $0xC00, s29;
	s9 =	sshrl.u32 s28, $0x3  }
0xb3: {  	s10 =	sshll.u32 s28, $0x7;
	s9 =	smul.u32 $0xC00, s9  }
0xb4: {  	s30 =	sand.u32 $0x380, s4;
	s4 =	simm.s32 $0x1;
	s10 =	sand.u32 $0x380, s10  }
0xb5: {  	s6 =	simm.s32 $0x80;
	s7 =	sor.u32 s30, s7;
	s9 =	sor.u32 s10, s9  }
0xb6: {  	s3 =	sadd.s32 $0x2200, s23;
	s31 =	sshrl.u32 s7, $0x3;
	s9 =	sshrl.u32 s9, $0x3  }
0xb7: {  	s7 =	simm.s32 $0xA;
	s10 =	sadd.s32 s2, s31;
	s9 =	sadd.s32 s3, s9  }
0xb8: {  	[hbm:s10@s6], [sflag:s7] =	dma.strided [hbm:s9@s6], $0x30, s4, $0x10   }
0xb9: {  	s9 =	sadd.s32 $0x1, s8  }
0xba: {  	s8 =	simm.s32 $0x80;
	s10 =	simm.s32 $0x100;
	s11 =	sld [smem:s9+$0x0]  }
.LBB1_1:
0xbb: {  	p0 =	sne.s32 s10, $0x3F80  }
0xbc: {  	s5 =	sadd.s32 $0x1, s5  }
0xbd: {  	s12 =	sshrl.u32 s5, $0x3  }
0xbe: {  	s12 =	smul.u32 $0xC00, s12;
	s13 =	sshrl.u32 s11, $0x3  }
0xbf: {  	s11 =	sshll.u32 s11, $0x7;
	s13 =	smul.u32 $0xC00, s13  }
0xc0: {  	s14 =	sand.u32 $0x380, s8;
	s8 =	smov.u32 s10;
	s11 =	sand.u32 $0x380, s11  }
0xc1: {  	s12 =	sor.u32 s14, s12;
	s11 =	sor.u32 s11, s13  }
.Ltmp0:
0xc2: {  	s12 =	sshrl.u32 s12, $0x3;
	s11 =	sshrl.u32 s11, $0x3;
	(pc) =	sbr.rel @p0 .LBB1_1-.Ltmp0, $3  }
0xc3: {  	s9 =	sadd.s32 $0x1, s9;
	s12 =	sadd.s32 s2, s12;
	s11 =	sadd.s32 s3, s11  }
0xc4: {  	[hbm:s12@s6], [sflag:s7] =	dma.strided [hbm:s11@s6], $0x30, s4, $0x10   }
0xc5: {  	s10 =	sadd.s32 $0x80, s10;
	s11 =	sld [smem:s9+$0x0]  }
0xc6: {  	_ = 	snop  }
0xc7: {  	s5 =	sadd.s32 $0x1, s5  }
0xc8: {  	s5 =	sshrl.u32 s5, $0x3  }
0xc9: {  	s5 =	smul.u32 $0xC00, s5;
	s9 =	sshrl.u32 s11, $0x3  }
0xca: {  	s10 =	sshll.u32 s11, $0x7;
	s9 =	smul.u32 $0xC00, s9  }
0xcb: {  	s8 =	sand.u32 $0x380, s8;
	s10 =	sand.u32 $0x380, s10  }
0xcc: {  	s5 =	sor.u32 s8, s5;
	s26 =	sor.u32 s10, s9  }
0xcd: {  	s5 =	sshrl.u32 s5, $0x3;
	s8 =	sshrl.u32 s26, $0x3  }
0xce: {  	s28 =	simm.s32 $0xA;
	s2 =	sadd.s32 s2, s5;
	s3 =	sadd.s32 s3, s8  }
0xcf: {  	[hbm:s2@s6], [sflag:s7] =	dma.strided [hbm:s3@s6], $0x30, s4, $0x10   }
0xd0: {  	_ =	swait.ge [sflag:s28], $0x1800  }
0xd1: {  	[sflag:s28] =	ssyncset.done $0x0  }
0xd2: {  	[sflag:s28] =	ssyncadd.s32 $0xFFFFE800  }
0xd3: {  	_ =	strace $0x90000049  }
0xd4: {  	_ =	sfence  }
0xd5: {  	s29 =	sld [smem:$0x0];
	_ =	sdelay $0x2  }
0xd6: {  	s30 =	sshll.u32 s1, $0xD;
	s31 =	sshrl.u32 s1, $0x2  }
0xd7: {  	s3 =	sand.u32 $0x4000, s30;
	s1 =	sadd.s32 s31, s29  }
0xd8: {  	s0 =	sor.u32 s3, s0;
	s1 =	sshll.u32 s1, $0x11  }
0xd9: {  	s0 =	sor.u32 s1, s0  }
0xda: {  	s0 =	sadd.s32 $0x8F2B, s0;
	(pc) =	sbr.abs _section_cstart, $3  }
0xdb: {  	[sflag:s0] =	ssyncadd.remote.s32 $0x1  }
0xdc: {  	_ =	strace $0x9FFFFFFF  }
0xdd: {  	(tm) =	ssettm $0x7FFFFFFF  }

// kernel: kernel.13.cloned.1.call-start
scs
__scs_entry_jumppad:
0x0: {  	(pc) =	sbr.rel $0x88, $3  }
0x1: {  	(tag) =	ssettag $0x0;
	lr =	simm.s32 $0x1  }
0x2: {  	[smem:$0x3F9E] =	sst lr;
	_ =	strace $0xD0000000  }
0x3: {  	_ = 	snop  }
0x4: {  	_ = 	snop  }
0x5: {  	_ = 	snop  }
0x6: {  	_ = 	snop  }
0x7: {  	_ = 	snop  }
__scs_overlays_trampoline_lowered:
0x8: {  	[smem:$0x3FAD] =	sst s0  }
0x9: {  	[smem:$0x3FAE] =	sst s1  }
0xa: {  	[smem:$0x3FAF] =	sst s2  }
0xb: {  	[smem:$0x3FB0] =	sst s3  }
0xc: {  	[smem:$0x3FB1] =	sst s4  }
0xd: {  	[smem:$0x3FB2] =	sst s5  }
0xe: {  	[smem:$0x3FB3] =	sst s6  }
0xf: {  	[smem:$0x3FB4] =	sst s7  }
0x10: {  	[smem:$0x3FB5] =	sst s8  }
0x11: {  	[smem:$0x3FB6] =	sst s9;
	s0 =	simm.s32 @!p0 $0x0  }
0x12: {  	s1 =	sld [smem:$0x3F9C];
	s0 =	simm.s32 @p0 $0x1  }
0x13: {  	[smem:$0x3FB7] =	sst s0;
	s0 =	simm.s32 @!p1 $0x0  }
0x14: {  	s2 =	sld [smem:$0x3F9B];
	s0 =	simm.s32 @p1 $0x1  }
0x15: {  	[smem:$0x3FB8] =	sst s0;
	s0 =	simm.s32 @!p2 $0x0  }
0x16: {  	s3 =	sld [smem:$0x3FDB];
	s0 =	simm.s32 @p2 $0x1  }
0x17: {  	s4 =	simm.s32 $0x1BF5;
	[smem:$0x3FBA] =	sst s0  }
0x18: {  	s0 =	sld [smem:$0x3F9D];
	_ =	swait.ge [sflag:s4], $0x0  }
0x19: {  	s7 =	sld [smem:$0x3F9E]  }
0x1a: {  	s8 =	sadd.s32 $0xFFFFE003, lr  }
0x1b: {  	s9 =	sadd.s32 $0xFFFFFEF7, lr;
	s5 =	simm.s32 $0xFFFFFFFF;
	p2 =	slt.u32 s8, $0xFFFFF086  }
0x1c: {  	p1 =	slt.u32 s9, $0xF7A;
	s5 =	simm.s32 @!p2 $0x0  }
0x1d: {  	s5 =	simm.s32 @p1 $0x1;
	p0 =	seq.s32 s7, s2  }
0x1e: {  	s7 =	smul.u32 @!p0 $0xF7A, s2;
	p2 =	seq.s32 @!p0 s5, $0x0  }
0x1f: {  	s9 =	smul.u32 $0xF7A, s1;
	s8 =	simm.s32 @!p0 $0x1BF5;
	p2 =	por !p2, p0  }
0x20: {  	[sflag:s8] =	ssyncset.s32 @!p0 $0xFFFFF086;
	s6 =	sadd.s32 @!p0 s3, s7;
	s7 =	simm.s32 @!p0 $0x108  }
0x21: {  	s3 =	sadd.s32 s3, s9;
	s6 =	sadd.s32 @!p0 $0x88, s6;
	s7 =	simm.s32 @p2 $0x1082  }
0x22: {  	[simem:s7], [sflag:s8] =	dma.local @!p0 [hbm:s6], $0xF7A  }
0x23: {  	s9 =	sor.u32 $0xD0000000, s2;
	s6 =	simm.s32 $0x108;
	_ =	swait.ge @!p0 [sflag:s8], $0x0  }
0x24: {  	s3 =	sadd.s32 $0x88, s3;
	s6 =	simm.s32 @!p1 $0x1082;
	[sflag:s4] =	ssyncset.s32 $0xFFFFF086  }
0x25: {  	[simem:s6], [sflag:s4] =	dma.local [hbm:s3], $0xF7A  }
0x26: {  	[smem:$0x3F9E] =	sst s1;
	(tag) =	ssettag s2;
	_ =	strace s9  }
0x27: {  	s1 =	sld [smem:$0x3FAE]  }
0x28: {  	s2 =	sld [smem:$0x3FAF]  }
0x29: {  	s4 =	sld [smem:$0x3FB1]  }
0x2a: {  	p0 =	seq.s32 s5, $0x0;
	s5 =	sld [smem:$0x3FB2]  }
0x2b: {  	s6 =	sld [smem:$0x3FB3]  }
0x2c: {  	s7 =	sld [smem:$0x3FB4]  }
0x2d: {  	s3 =	simm.s32 $0x108;
	s8 =	sld [smem:$0x3FB5]  }
0x2e: {  	s3 =	simm.s32 @!p0 $0x1082;
	s9 =	sld [smem:$0x3FB6]  }
0x2f: {  	lr =	sadd.s32 s0, s3;
	s0 =	sld [smem:$0x3FAD]  }
0x30: {  	s3 =	sld [smem:$0x3FB0]  }
0x31: {  	[smem:$0x3FB9] =	sst s10  }
0x32: {  	s10 =	sld [smem:$0x3FB7];
	_ =	sdelay $0x3  }
0x33: {  	p0 =	seq.s32 s10, $0x1;
	s10 =	sld [smem:$0x3FB9];
	_ =	sdelay $0x3  }
0x34: {  	[smem:$0x3FB9] =	sst s10  }
0x35: {  	s10 =	sld [smem:$0x3FB8];
	_ =	sdelay $0x3  }
0x36: {  	p1 =	seq.s32 s10, $0x1;
	s10 =	sld [smem:$0x3FB9];
	_ =	sdelay $0x3  }
0x37: {  	[smem:$0x3FB9] =	sst s10  }
0x38: {  	s10 =	sld [smem:$0x3FBA]  }
0x39: {  	_ = 	snop;
	(pc) =	sbr.ind lr, $3  }
0x3a: {  	_ = 	snop  }
0x3b: {  	_ = 	snop  }
0x3c: {  	p2 =	seq.s32 s10, $0x1;
	s10 =	sld [smem:$0x3FB9]  }
0x3d: {  	_ =	shalt  }
0x3e: {  	_ =	shalt  }
0x3f: {  	_ =	shalt  }
0x40: {  	_ =	shalt  }
0x41: {  	_ =	shalt  }
0x42: {  	_ =	shalt  }
0x43: {  	_ =	shalt  }
0x44: {  	_ =	shalt  }
0x45: {  	_ =	shalt  }
0x46: {  	_ =	shalt  }
0x47: {  	_ =	shalt  }
0x48: {  	_ =	shalt  }
0x49: {  	_ =	shalt  }
0x4a: {  	_ =	shalt  }
0x4b: {  	_ =	shalt  }
0x4c: {  	_ =	shalt  }
0x4d: {  	_ =	shalt  }
0x4e: {  	_ =	shalt  }
0x4f: {  	_ =	shalt  }
0x50: {  	_ =	shalt  }
0x51: {  	_ =	shalt  }
0x52: {  	_ =	shalt  }
0x53: {  	_ =	shalt  }
0x54: {  	_ =	shalt  }
0x55: {  	_ =	shalt  }
0x56: {  	_ =	shalt  }
0x57: {  	_ =	shalt  }
0x58: {  	_ =	shalt  }
0x59: {  	_ =	shalt  }
0x5a: {  	_ =	shalt  }
0x5b: {  	_ =	shalt  }
0x5c: {  	_ =	shalt  }
0x5d: {  	_ =	shalt  }
0x5e: {  	_ =	shalt  }
0x5f: {  	_ =	shalt  }
0x60: {  	_ =	shalt  }
0x61: {  	_ =	shalt  }
0x62: {  	_ =	shalt  }
0x63: {  	_ =	shalt  }
0x64: {  	_ =	shalt  }
0x65: {  	_ =	shalt  }
0x66: {  	_ =	shalt  }
0x67: {  	_ =	shalt  }
0x68: {  	_ =	shalt  }
0x69: {  	_ =	shalt  }
0x6a: {  	_ =	shalt  }
0x6b: {  	_ =	shalt  }
0x6c: {  	_ =	shalt  }
0x6d: {  	_ =	shalt  }
0x6e: {  	_ =	shalt  }
0x6f: {  	_ =	shalt  }
0x70: {  	_ =	shalt  }
0x71: {  	_ =	shalt  }
0x72: {  	_ =	shalt  }
0x73: {  	_ =	shalt  }
0x74: {  	_ =	shalt  }
0x75: {  	_ =	shalt  }
0x76: {  	_ =	shalt  }
0x77: {  	_ =	shalt  }
0x78: {  	_ =	shalt  }
0x79: {  	_ =	shalt  }
0x7a: {  	_ =	shalt  }
0x7b: {  	_ =	shalt  }
0x7c: {  	_ =	shalt  }
0x7d: {  	_ =	shalt  }
0x7e: {  	_ =	shalt  }
0x7f: {  	_ =	shalt  }
0x80: {  	_ =	shalt  }
0x81: {  	_ =	shalt  }
0x82: {  	_ =	shalt  }
0x83: {  	_ =	shalt  }
0x84: {  	_ =	shalt  }
0x85: {  	_ =	shalt  }
0x86: {  	_ =	shalt  }
0x87: {  	_ =	shalt  }
.Lfunc_end0:
.L_simem_size_0:
called_computation.1_lowered:
.L_overlay_start_0:
0x88: {  	s2 =	sld [smem:$0x3FD9]  }
0x89: {  	s3 =	sld [smem:$0x3FFE];
	_ =	sdelay $0x1  }
0x8a: {  	s1 =	srdreg.scid  }
0x8b: {  	s0 =	sand.u32 $0x1, s1  }
0x8c: {  	s23 =	sshll.u32 s0, $0xA;
	s2 =	sadd.s32 s3, s2  }
0x8d: {  	s2 =	sadd.s32 s2, s23  }
0x8e: {  	s4 =	simm.s32 $0x0;
	[smem:$0x3FC5] =	sst s2  }
0x8f: {  	[smem:$0xF] =	sst s4  }
0x90: {  	(tm) =	ssettm $0x1  }
0x91: {  	s24 =	sld [smem:$0x3FFB];
	_ =	sdelay $0x3  }
0x92: {  	_ =	strace s24  }
0x93: {  	s2 =	sld [smem:$0x3FFC];
	_ =	sdelay $0x3  }
0x94: {  	_ =	strace s2  }
0x95: {  	s2 =	sld [smem:$0x3FFD];
	_ =	sdelay $0x3  }
0x96: {  	_ =	strace s2  }
0x97: {  	s25 =	simm.s32 $0x1B8B;
	_ =	strace $0x8FFFFFFF  }
0x98: {  	_ =	swait.ge [sflag:s25], $0x1  }
0x99: {  	[sflag:s25] =	ssyncset.done $0x0  }
0x9a: {  	[sflag:s25] =	ssyncadd.s32 $0xFFFFFFFF  }
0x9b: {  	s2 =	sld [smem:$0x0]  }
0x9c: {  	s3 =	sand.u32 $0xFFFFFFFE, s1  }
0x9d: {  	p0 =	sne.s32 s1, s3  }
0x9e: {  	s3 =	sshll.u32 @p0 s3, $0xE  }
0x9f: {  	s3 =	sadd.s32 @p0 $0x11B8D, s3;
	s5 =	sshll.u32 @p0 s2, $0x11  }
0xa0: {  	s3 =	sor.u32 @p0 s5, s3  }
0xa1: {  	[sflag:s3] =	ssyncadd.remote.s32 @p0 $0x1;
	_ =	sdelay $0x1  }
0xa2: {  	s3 =	simm.s32 @p0 $0x1B8D  }
0xa3: {  	_ =	swait.eq @p0 [sflag:s3], $0x1  }
0xa4: {  	[sflag:s3] =	ssyncadd.s32 @p0 $0xFFFFFFFF;
	_ =	sdelay $0x1  }
0xa5: {  	s5 =	sshll.u32 @!p0 s1, $0xE;
	s3 =	simm.s32 @!p0 $0x1B8D  }
0xa6: {  	s5 =	sor.u32 @!p0 $0x4000, s5;
	_ =	swait.eq @!p0 [sflag:s3], $0x1  }
0xa7: {  	s2 =	sshll.u32 @!p0 s2, $0x11;
	s5 =	sadd.s32 @!p0 $0x11B8D, s5;
	s26 =	sld [smem:$0x3FFE]  }
0xa8: {  	s2 =	sor.u32 @!p0 s2, s5;
	[sflag:s3] =	ssyncadd.s32 @!p0 $0xFFFFFFFF  }
0xa9: {  	s28 =	simm.s32 $0x1B8E;
	[sflag:s2] =	ssyncadd.remote.s32 @!p0 $0x1  }
0xaa: {  	s6 =	simm.s32 $0x9;
	[smem:$0x3FD2] =	sst s28  }
0xab: {  	s30 =	simm.s32 $0x10;
	_ =	strace $0x80000048;
	s29 =	sadd.s32 $0x1E00, s26  }
0xac: {  	[smem:s30], [sflag:s6] =	dma.local [hbm:s29], $0x20  }
0xad: {  	_ =	swait.ge [sflag:s6], $0x20  }
0xae: {  	s5 =	sshll.u32 s0, $0x7;
	[sflag:s6] =	ssyncset.done $0x0  }
0xaf: {  	s8 =	sor.u32 $0x10, s5;
	[sflag:s6] =	ssyncadd.s32 $0xFFFFFFE0  }
0xb0: {  	s6 =	sld [smem:s8+$0x0];
	_ =	sdelay $0x2  }
0xb1: {  	s31 =	sshrl.u32 s5, $0x3  }
0xb2: {  	s7 =	smul.u32 $0xC00, s31;
	s9 =	sshrl.u32 s6, $0x3  }
0xb3: {  	s10 =	sand.u32 $0x380, s4;
	s6 =	sshll.u32 s6, $0x7;
	s9 =	smul.u32 $0xC00, s9  }
0xb4: {  	s4 =	simm.s32 $0x1;
	s7 =	sor.u32 s10, s7;
	s6 =	sand.u32 $0x380, s6  }
0xb5: {  	s10 =	sshrl.u32 s7, $0x3;
	s7 =	simm.s32 $0xA;
	s9 =	sor.u32 s6, s9  }
0xb6: {  	s2 =	sadd.s32 $0x2200, s26;
	s3 =	sadd.s32 $0x49C000, s26;
	s9 =	sshrl.u32 s9, $0x3  }
0xb7: {  	s10 =	sadd.s32 s3, s10;
	s6 =	simm.s32 $0x80;
	s9 =	sadd.s32 s2, s9  }
0xb8: {  	[hbm:s10@s6], [sflag:s7] =	dma.strided [hbm:s9@s6], $0x30, s4, $0x10   }
0xb9: {  	s9 =	sadd.s32 $0x1, s8  }
0xba: {  	s8 =	simm.s32 $0x80;
	s10 =	simm.s32 $0x100;
	s11 =	sld [smem:s9+$0x0]  }
.LBB1_1:
0xbb: {  	p0 =	sne.s32 s10, $0x3F80  }
0xbc: {  	s5 =	sadd.s32 $0x1, s5  }
0xbd: {  	s12 =	sshrl.u32 s5, $0x3  }
0xbe: {  	s12 =	smul.u32 $0xC00, s12;
	s13 =	sshrl.u32 s11, $0x3  }
0xbf: {  	s11 =	sshll.u32 s11, $0x7;
	s13 =	smul.u32 $0xC00, s13  }
0xc0: {  	s14 =	sand.u32 $0x380, s8;
	s8 =	smov.u32 s10;
	s11 =	sand.u32 $0x380, s11  }
0xc1: {  	s12 =	sor.u32 s14, s12;
	s11 =	sor.u32 s11, s13  }
.Ltmp0:
0xc2: {  	s12 =	sshrl.u32 s12, $0x3;
	s11 =	sshrl.u32 s11, $0x3;
	(pc) =	sbr.rel @p0 .LBB1_1-.Ltmp0, $3  }
0xc3: {  	s9 =	sadd.s32 $0x1, s9;
	s12 =	sadd.s32 s3, s12;
	s11 =	sadd.s32 s2, s11  }
0xc4: {  	[hbm:s12@s6], [sflag:s7] =	dma.strided [hbm:s11@s6], $0x30, s4, $0x10   }
0xc5: {  	s10 =	sadd.s32 $0x80, s10;
	s11 =	sld [smem:s9+$0x0]  }
0xc6: {  	_ = 	snop  }
0xc7: {  	s5 =	sadd.s32 $0x1, s5  }
0xc8: {  	s5 =	sshrl.u32 s5, $0x3  }
0xc9: {  	s5 =	smul.u32 $0xC00, s5;
	s9 =	sshrl.u32 s11, $0x3  }
0xca: {  	s10 =	sshll.u32 s11, $0x7;
	s9 =	smul.u32 $0xC00, s9  }
0xcb: {  	s8 =	sand.u32 $0x380, s8;
	s10 =	sand.u32 $0x380, s10  }
0xcc: {  	s5 =	sor.u32 s8, s5;
	s26 =	sor.u32 s10, s9  }
0xcd: {  	s5 =	sshrl.u32 s5, $0x3;
	s8 =	sshrl.u32 s26, $0x3  }
0xce: {  	s28 =	simm.s32 $0xA;
	s3 =	sadd.s32 s3, s5;
	s2 =	sadd.s32 s2, s8  }
0xcf: {  	[hbm:s3@s6], [sflag:s7] =	dma.strided [hbm:s2@s6], $0x30, s4, $0x10   }
0xd0: {  	_ =	swait.ge [sflag:s28], $0x1800  }
0xd1: {  	[sflag:s28] =	ssyncset.done $0x0  }
0xd2: {  	[sflag:s28] =	ssyncadd.s32 $0xFFFFE800  }
0xd3: {  	_ =	strace $0x90000048  }
0xd4: {  	_ =	sfence  }
0xd5: {  	s29 =	sld [smem:$0x0];
	_ =	sdelay $0x2  }
0xd6: {  	s30 =	sshll.u32 s1, $0xD;
	s31 =	sshrl.u32 s1, $0x2  }
0xd7: {  	s3 =	sand.u32 $0x4000, s30;
	s1 =	sadd.s32 s31, s29  }
0xd8: {  	s0 =	sor.u32 s3, s0;
	s1 =	sshll.u32 s1, $0x11  }
0xd9: {  	s0 =	sor.u32 s1, s0  }
0xda: {  	s0 =	sadd.s32 $0x8F2B, s0;
	(pc) =	sbr.abs _section_cstart, $3  }
0xdb: {  	[sflag:s0] =	ssyncadd.remote.s32 $0x1  }
0xdc: {  	_ =	strace $0x9FFFFFFF  }
0xdd: {  	(tm) =	ssettm $0x7FFFFFFF  }

// kernel: kernel.16.cloned.1.call-start
scs
__scs_entry_jumppad:
0x0: {  	(pc) =	sbr.rel $0x88, $3  }
0x1: {  	(tag) =	ssettag $0x0;
	lr =	simm.s32 $0x1  }
0x2: {  	[smem:$0x3F9E] =	sst lr;
	_ =	strace $0xD0000000  }
0x3: {  	_ = 	snop  }
0x4: {  	_ = 	snop  }
0x5: {  	_ = 	snop  }
0x6: {  	_ = 	snop  }
0x7: {  	_ = 	snop  }
__scs_overlays_trampoline_lowered:
0x8: {  	[smem:$0x3FAD] =	sst s0  }
0x9: {  	[smem:$0x3FAE] =	sst s1  }
0xa: {  	[smem:$0x3FAF] =	sst s2  }
0xb: {  	[smem:$0x3FB0] =	sst s3  }
0xc: {  	[smem:$0x3FB1] =	sst s4  }
0xd: {  	[smem:$0x3FB2] =	sst s5  }
0xe: {  	[smem:$0x3FB3] =	sst s6  }
0xf: {  	[smem:$0x3FB4] =	sst s7  }
0x10: {  	[smem:$0x3FB5] =	sst s8  }
0x11: {  	[smem:$0x3FB6] =	sst s9;
	s0 =	simm.s32 @!p0 $0x0  }
0x12: {  	s1 =	sld [smem:$0x3F9C];
	s0 =	simm.s32 @p0 $0x1  }
0x13: {  	[smem:$0x3FB7] =	sst s0;
	s0 =	simm.s32 @!p1 $0x0  }
0x14: {  	s2 =	sld [smem:$0x3F9B];
	s0 =	simm.s32 @p1 $0x1  }
0x15: {  	[smem:$0x3FB8] =	sst s0;
	s0 =	simm.s32 @!p2 $0x0  }
0x16: {  	s3 =	sld [smem:$0x3FDB];
	s0 =	simm.s32 @p2 $0x1  }
0x17: {  	s4 =	simm.s32 $0x1BF5;
	[smem:$0x3FBA] =	sst s0  }
0x18: {  	s0 =	sld [smem:$0x3F9D];
	_ =	swait.ge [sflag:s4], $0x0  }
0x19: {  	s7 =	sld [smem:$0x3F9E]  }
0x1a: {  	s8 =	sadd.s32 $0xFFFFE003, lr  }
0x1b: {  	s9 =	sadd.s32 $0xFFFFFEF7, lr;
	s5 =	simm.s32 $0xFFFFFFFF;
	p2 =	slt.u32 s8, $0xFFFFF086  }
0x1c: {  	p1 =	slt.u32 s9, $0xF7A;
	s5 =	simm.s32 @!p2 $0x0  }
0x1d: {  	s5 =	simm.s32 @p1 $0x1;
	p0 =	seq.s32 s7, s2  }
0x1e: {  	s7 =	smul.u32 @!p0 $0xF7A, s2;
	p2 =	seq.s32 @!p0 s5, $0x0  }
0x1f: {  	s9 =	smul.u32 $0xF7A, s1;
	s8 =	simm.s32 @!p0 $0x1BF5;
	p2 =	por !p2, p0  }
0x20: {  	[sflag:s8] =	ssyncset.s32 @!p0 $0xFFFFF086;
	s6 =	sadd.s32 @!p0 s3, s7;
	s7 =	simm.s32 @!p0 $0x108  }
0x21: {  	s3 =	sadd.s32 s3, s9;
	s6 =	sadd.s32 @!p0 $0x88, s6;
	s7 =	simm.s32 @p2 $0x1082  }
0x22: {  	[simem:s7], [sflag:s8] =	dma.local @!p0 [hbm:s6], $0xF7A  }
0x23: {  	s9 =	sor.u32 $0xD0000000, s2;
	s6 =	simm.s32 $0x108;
	_ =	swait.ge @!p0 [sflag:s8], $0x0  }
0x24: {  	s3 =	sadd.s32 $0x88, s3;
	s6 =	simm.s32 @!p1 $0x1082;
	[sflag:s4] =	ssyncset.s32 $0xFFFFF086  }
0x25: {  	[simem:s6], [sflag:s4] =	dma.local [hbm:s3], $0xF7A  }
0x26: {  	[smem:$0x3F9E] =	sst s1;
	(tag) =	ssettag s2;
	_ =	strace s9  }
0x27: {  	s1 =	sld [smem:$0x3FAE]  }
0x28: {  	s2 =	sld [smem:$0x3FAF]  }
0x29: {  	s4 =	sld [smem:$0x3FB1]  }
0x2a: {  	p0 =	seq.s32 s5, $0x0;
	s5 =	sld [smem:$0x3FB2]  }
0x2b: {  	s6 =	sld [smem:$0x3FB3]  }
0x2c: {  	s7 =	sld [smem:$0x3FB4]  }
0x2d: {  	s3 =	simm.s32 $0x108;
	s8 =	sld [smem:$0x3FB5]  }
0x2e: {  	s3 =	simm.s32 @!p0 $0x1082;
	s9 =	sld [smem:$0x3FB6]  }
0x2f: {  	lr =	sadd.s32 s0, s3;
	s0 =	sld [smem:$0x3FAD]  }
0x30: {  	s3 =	sld [smem:$0x3FB0]  }
0x31: {  	[smem:$0x3FB9] =	sst s10  }
0x32: {  	s10 =	sld [smem:$0x3FB7];
	_ =	sdelay $0x3  }
0x33: {  	p0 =	seq.s32 s10, $0x1;
	s10 =	sld [smem:$0x3FB9];
	_ =	sdelay $0x3  }
0x34: {  	[smem:$0x3FB9] =	sst s10  }
0x35: {  	s10 =	sld [smem:$0x3FB8];
	_ =	sdelay $0x3  }
0x36: {  	p1 =	seq.s32 s10, $0x1;
	s10 =	sld [smem:$0x3FB9];
	_ =	sdelay $0x3  }
0x37: {  	[smem:$0x3FB9] =	sst s10  }
0x38: {  	s10 =	sld [smem:$0x3FBA]  }
0x39: {  	_ = 	snop;
	(pc) =	sbr.ind lr, $3  }
0x3a: {  	_ = 	snop  }
0x3b: {  	_ = 	snop  }
0x3c: {  	p2 =	seq.s32 s10, $0x1;
	s10 =	sld [smem:$0x3FB9]  }
0x3d: {  	_ =	shalt  }
0x3e: {  	_ =	shalt  }
0x3f: {  	_ =	shalt  }
0x40: {  	_ =	shalt  }
0x41: {  	_ =	shalt  }
0x42: {  	_ =	shalt  }
0x43: {  	_ =	shalt  }
0x44: {  	_ =	shalt  }
0x45: {  	_ =	shalt  }
0x46: {  	_ =	shalt  }
0x47: {  	_ =	shalt  }
0x48: {  	_ =	shalt  }
0x49: {  	_ =	shalt  }
0x4a: {  	_ =	shalt  }
0x4b: {  	_ =	shalt  }
0x4c: {  	_ =	shalt  }
0x4d: {  	_ =	shalt  }
0x4e: {  	_ =	shalt  }
0x4f: {  	_ =	shalt  }
0x50: {  	_ =	shalt  }
0x51: {  	_ =	shalt  }
0x52: {  	_ =	shalt  }
0x53: {  	_ =	shalt  }
0x54: {  	_ =	shalt  }
0x55: {  	_ =	shalt  }
0x56: {  	_ =	shalt  }
0x57: {  	_ =	shalt  }
0x58: {  	_ =	shalt  }
0x59: {  	_ =	shalt  }
0x5a: {  	_ =	shalt  }
0x5b: {  	_ =	shalt  }
0x5c: {  	_ =	shalt  }
0x5d: {  	_ =	shalt  }
0x5e: {  	_ =	shalt  }
0x5f: {  	_ =	shalt  }
0x60: {  	_ =	shalt  }
0x61: {  	_ =	shalt  }
0x62: {  	_ =	shalt  }
0x63: {  	_ =	shalt  }
0x64: {  	_ =	shalt  }
0x65: {  	_ =	shalt  }
0x66: {  	_ =	shalt  }
0x67: {  	_ =	shalt  }
0x68: {  	_ =	shalt  }
0x69: {  	_ =	shalt  }
0x6a: {  	_ =	shalt  }
0x6b: {  	_ =	shalt  }
0x6c: {  	_ =	shalt  }
0x6d: {  	_ =	shalt  }
0x6e: {  	_ =	shalt  }
0x6f: {  	_ =	shalt  }
0x70: {  	_ =	shalt  }
0x71: {  	_ =	shalt  }
0x72: {  	_ =	shalt  }
0x73: {  	_ =	shalt  }
0x74: {  	_ =	shalt  }
0x75: {  	_ =	shalt  }
0x76: {  	_ =	shalt  }
0x77: {  	_ =	shalt  }
0x78: {  	_ =	shalt  }
0x79: {  	_ =	shalt  }
0x7a: {  	_ =	shalt  }
0x7b: {  	_ =	shalt  }
0x7c: {  	_ =	shalt  }
0x7d: {  	_ =	shalt  }
0x7e: {  	_ =	shalt  }
0x7f: {  	_ =	shalt  }
0x80: {  	_ =	shalt  }
0x81: {  	_ =	shalt  }
0x82: {  	_ =	shalt  }
0x83: {  	_ =	shalt  }
0x84: {  	_ =	shalt  }
0x85: {  	_ =	shalt  }
0x86: {  	_ =	shalt  }
0x87: {  	_ =	shalt  }
.Lfunc_end0:
.L_simem_size_0:
called_computation.2_lowered:
.L_overlay_start_0:
0x88: {  	s2 =	sld [smem:$0x3FD9]  }
0x89: {  	s3 =	sld [smem:$0x3FFE];
	_ =	sdelay $0x1  }
0x8a: {  	s1 =	srdreg.scid  }
0x8b: {  	s0 =	sand.u32 $0x1, s1  }
0x8c: {  	s23 =	sshll.u32 s0, $0xA;
	s2 =	sadd.s32 s3, s2  }
0x8d: {  	s2 =	sadd.s32 s2, s23  }
0x8e: {  	s4 =	simm.s32 $0x0;
	[smem:$0x3FC5] =	sst s2  }
0x8f: {  	[smem:$0xF] =	sst s4  }
0x90: {  	(tm) =	ssettm $0x1  }
0x91: {  	s24 =	sld [smem:$0x3FFB];
	_ =	sdelay $0x3  }
0x92: {  	_ =	strace s24  }
0x93: {  	s2 =	sld [smem:$0x3FFC];
	_ =	sdelay $0x3  }
0x94: {  	_ =	strace s2  }
0x95: {  	s2 =	sld [smem:$0x3FFD];
	_ =	sdelay $0x3  }
0x96: {  	_ =	strace s2  }
0x97: {  	s25 =	simm.s32 $0x1B8B;
	_ =	strace $0x8FFFFFFF  }
0x98: {  	_ =	swait.ge [sflag:s25], $0x1  }
0x99: {  	[sflag:s25] =	ssyncset.done $0x0  }
0x9a: {  	[sflag:s25] =	ssyncadd.s32 $0xFFFFFFFF  }
0x9b: {  	s2 =	sld [smem:$0x0]  }
0x9c: {  	s3 =	sand.u32 $0xFFFFFFFE, s1  }
0x9d: {  	p0 =	sne.s32 s1, s3  }
0x9e: {  	s3 =	sshll.u32 @p0 s3, $0xE  }
0x9f: {  	s3 =	sadd.s32 @p0 $0x11B8D, s3;
	s5 =	sshll.u32 @p0 s2, $0x11  }
0xa0: {  	s3 =	sor.u32 @p0 s5, s3  }
0xa1: {  	[sflag:s3] =	ssyncadd.remote.s32 @p0 $0x1;
	_ =	sdelay $0x1  }
0xa2: {  	s3 =	simm.s32 @p0 $0x1B8D  }
0xa3: {  	_ =	swait.eq @p0 [sflag:s3], $0x1  }
0xa4: {  	[sflag:s3] =	ssyncadd.s32 @p0 $0xFFFFFFFF;
	_ =	sdelay $0x1  }
0xa5: {  	s5 =	sshll.u32 @!p0 s1, $0xE;
	s3 =	simm.s32 @!p0 $0x1B8D  }
0xa6: {  	s5 =	sor.u32 @!p0 $0x4000, s5;
	_ =	swait.eq @!p0 [sflag:s3], $0x1  }
0xa7: {  	s2 =	sshll.u32 @!p0 s2, $0x11;
	s5 =	sadd.s32 @!p0 $0x11B8D, s5;
	s26 =	sld [smem:$0x3FFE]  }
0xa8: {  	s2 =	sor.u32 @!p0 s2, s5;
	[sflag:s3] =	ssyncadd.s32 @!p0 $0xFFFFFFFF  }
0xa9: {  	s28 =	simm.s32 $0x1B8E;
	[sflag:s2] =	ssyncadd.remote.s32 @!p0 $0x1  }
0xaa: {  	s6 =	simm.s32 $0x9;
	[smem:$0x3FD2] =	sst s28  }
0xab: {  	s30 =	simm.s32 $0x10;
	_ =	strace $0x80000047;
	s29 =	sadd.s32 $0x1C00, s26  }
0xac: {  	[smem:s30], [sflag:s6] =	dma.local [hbm:s29], $0x20  }
0xad: {  	_ =	swait.ge [sflag:s6], $0x20  }
0xae: {  	s5 =	sshll.u32 s0, $0x7;
	[sflag:s6] =	ssyncset.done $0x0  }
0xaf: {  	s8 =	sor.u32 $0x10, s5;
	[sflag:s6] =	ssyncadd.s32 $0xFFFFFFE0  }
0xb0: {  	s6 =	sld [smem:s8+$0x0];
	_ =	sdelay $0x2  }
0xb1: {  	s31 =	sshrl.u32 s5, $0x3  }
0xb2: {  	s7 =	smul.u32 $0xC00, s31;
	s9 =	sshrl.u32 s6, $0x3  }
0xb3: {  	s10 =	sand.u32 $0x380, s4;
	s6 =	sshll.u32 s6, $0x7;
	s9 =	smul.u32 $0xC00, s9  }
0xb4: {  	s4 =	simm.s32 $0x1;
	s7 =	sor.u32 s10, s7;
	s6 =	sand.u32 $0x380, s6  }
0xb5: {  	s10 =	sshrl.u32 s7, $0x3;
	s7 =	simm.s32 $0xA;
	s9 =	sor.u32 s6, s9  }
0xb6: {  	s2 =	sadd.s32 $0x2200, s26;
	s3 =	sadd.s32 $0x499000, s26;
	s9 =	sshrl.u32 s9, $0x3  }
0xb7: {  	s10 =	sadd.s32 s3, s10;
	s6 =	simm.s32 $0x80;
	s9 =	sadd.s32 s2, s9  }
0xb8: {  	[hbm:s10@s6], [sflag:s7] =	dma.strided [hbm:s9@s6], $0x30, s4, $0x10   }
0xb9: {  	s9 =	sadd.s32 $0x1, s8  }
0xba: {  	s8 =	simm.s32 $0x80;
	s10 =	simm.s32 $0x100;
	s11 =	sld [smem:s9+$0x0]  }
.LBB1_1:
0xbb: {  	p0 =	sne.s32 s10, $0x3F80  }
0xbc: {  	s5 =	sadd.s32 $0x1, s5  }
0xbd: {  	s12 =	sshrl.u32 s5, $0x3  }
0xbe: {  	s12 =	smul.u32 $0xC00, s12;
	s13 =	sshrl.u32 s11, $0x3  }
0xbf: {  	s11 =	sshll.u32 s11, $0x7;
	s13 =	smul.u32 $0xC00, s13  }
0xc0: {  	s14 =	sand.u32 $0x380, s8;
	s8 =	smov.u32 s10;
	s11 =	sand.u32 $0x380, s11  }
0xc1: {  	s12 =	sor.u32 s14, s12;
	s11 =	sor.u32 s11, s13  }
.Ltmp0:
0xc2: {  	s12 =	sshrl.u32 s12, $0x3;
	s11 =	sshrl.u32 s11, $0x3;
	(pc) =	sbr.rel @p0 .LBB1_1-.Ltmp0, $3  }
0xc3: {  	s9 =	sadd.s32 $0x1, s9;
	s12 =	sadd.s32 s3, s12;
	s11 =	sadd.s32 s2, s11  }
0xc4: {  	[hbm:s12@s6], [sflag:s7] =	dma.strided [hbm:s11@s6], $0x30, s4, $0x10   }
0xc5: {  	s10 =	sadd.s32 $0x80, s10;
	s11 =	sld [smem:s9+$0x0]  }
0xc6: {  	_ = 	snop  }
0xc7: {  	s5 =	sadd.s32 $0x1, s5  }
0xc8: {  	s5 =	sshrl.u32 s5, $0x3  }
0xc9: {  	s5 =	smul.u32 $0xC00, s5;
	s9 =	sshrl.u32 s11, $0x3  }
0xca: {  	s10 =	sshll.u32 s11, $0x7;
	s9 =	smul.u32 $0xC00, s9  }
0xcb: {  	s8 =	sand.u32 $0x380, s8;
	s10 =	sand.u32 $0x380, s10  }
0xcc: {  	s5 =	sor.u32 s8, s5;
	s26 =	sor.u32 s10, s9  }
0xcd: {  	s5 =	sshrl.u32 s5, $0x3;
	s8 =	sshrl.u32 s26, $0x3  }
0xce: {  	s28 =	simm.s32 $0xA;
	s3 =	sadd.s32 s3, s5;
	s2 =	sadd.s32 s2, s8  }
0xcf: {  	[hbm:s3@s6], [sflag:s7] =	dma.strided [hbm:s2@s6], $0x30, s4, $0x10   }
0xd0: {  	_ =	swait.ge [sflag:s28], $0x1800  }
0xd1: {  	[sflag:s28] =	ssyncset.done $0x0  }
0xd2: {  	[sflag:s28] =	ssyncadd.s32 $0xFFFFE800  }
0xd3: {  	_ =	strace $0x90000047  }
0xd4: {  	_ =	sfence  }
0xd5: {  	s29 =	sld [smem:$0x0];
	_ =	sdelay $0x2  }
0xd6: {  	s30 =	sshll.u32 s1, $0xD;
	s31 =	sshrl.u32 s1, $0x2  }
0xd7: {  	s3 =	sand.u32 $0x4000, s30;
	s1 =	sadd.s32 s31, s29  }
0xd8: {  	s0 =	sor.u32 s3, s0;
	s1 =	sshll.u32 s1, $0x11  }
0xd9: {  	s0 =	sor.u32 s1, s0  }
0xda: {  	s0 =	sadd.s32 $0x8F2B, s0;
	(pc) =	sbr.abs _section_cstart, $3  }
0xdb: {  	[sflag:s0] =	ssyncadd.remote.s32 $0x1  }
0xdc: {  	_ =	strace $0x9FFFFFFF  }
0xdd: {  	(tm) =	ssettm $0x7FFFFFFF  }

// kernel: kernel.19.cloned.1.call-start
scs
__scs_entry_jumppad:
0x0: {  	(pc) =	sbr.rel $0x88, $3  }
0x1: {  	(tag) =	ssettag $0x0;
	lr =	simm.s32 $0x1  }
0x2: {  	[smem:$0x3F9E] =	sst lr;
	_ =	strace $0xD0000000  }
0x3: {  	_ = 	snop  }
0x4: {  	_ = 	snop  }
0x5: {  	_ = 	snop  }
0x6: {  	_ = 	snop  }
0x7: {  	_ = 	snop  }
__scs_overlays_trampoline_lowered:
0x8: {  	[smem:$0x3FAD] =	sst s0  }
0x9: {  	[smem:$0x3FAE] =	sst s1  }
0xa: {  	[smem:$0x3FAF] =	sst s2  }
0xb: {  	[smem:$0x3FB0] =	sst s3  }
0xc: {  	[smem:$0x3FB1] =	sst s4  }
0xd: {  	[smem:$0x3FB2] =	sst s5  }
0xe: {  	[smem:$0x3FB3] =	sst s6  }
0xf: {  	[smem:$0x3FB4] =	sst s7  }
0x10: {  	[smem:$0x3FB5] =	sst s8  }
0x11: {  	[smem:$0x3FB6] =	sst s9;
	s0 =	simm.s32 @!p0 $0x0  }
0x12: {  	s1 =	sld [smem:$0x3F9C];
	s0 =	simm.s32 @p0 $0x1  }
0x13: {  	[smem:$0x3FB7] =	sst s0;
	s0 =	simm.s32 @!p1 $0x0  }
0x14: {  	s2 =	sld [smem:$0x3F9B];
	s0 =	simm.s32 @p1 $0x1  }
0x15: {  	[smem:$0x3FB8] =	sst s0;
	s0 =	simm.s32 @!p2 $0x0  }
0x16: {  	s3 =	sld [smem:$0x3FDB];
	s0 =	simm.s32 @p2 $0x1  }
0x17: {  	s4 =	simm.s32 $0x1BF5;
	[smem:$0x3FBA] =	sst s0  }
0x18: {  	s0 =	sld [smem:$0x3F9D];
	_ =	swait.ge [sflag:s4], $0x0  }
0x19: {  	s7 =	sld [smem:$0x3F9E]  }
0x1a: {  	s8 =	sadd.s32 $0xFFFFE003, lr  }
0x1b: {  	s9 =	sadd.s32 $0xFFFFFEF7, lr;
	s5 =	simm.s32 $0xFFFFFFFF;
	p2 =	slt.u32 s8, $0xFFFFF086  }
0x1c: {  	p1 =	slt.u32 s9, $0xF7A;
	s5 =	simm.s32 @!p2 $0x0  }
0x1d: {  	s5 =	simm.s32 @p1 $0x1;
	p0 =	seq.s32 s7, s2  }
0x1e: {  	s7 =	smul.u32 @!p0 $0xF7A, s2;
	p2 =	seq.s32 @!p0 s5, $0x0  }
0x1f: {  	s9 =	smul.u32 $0xF7A, s1;
	s8 =	simm.s32 @!p0 $0x1BF5;
	p2 =	por !p2, p0  }
0x20: {  	[sflag:s8] =	ssyncset.s32 @!p0 $0xFFFFF086;
	s6 =	sadd.s32 @!p0 s3, s7;
	s7 =	simm.s32 @!p0 $0x108  }
0x21: {  	s3 =	sadd.s32 s3, s9;
	s6 =	sadd.s32 @!p0 $0x88, s6;
	s7 =	simm.s32 @p2 $0x1082  }
0x22: {  	[simem:s7], [sflag:s8] =	dma.local @!p0 [hbm:s6], $0xF7A  }
0x23: {  	s9 =	sor.u32 $0xD0000000, s2;
	s6 =	simm.s32 $0x108;
	_ =	swait.ge @!p0 [sflag:s8], $0x0  }
0x24: {  	s3 =	sadd.s32 $0x88, s3;
	s6 =	simm.s32 @!p1 $0x1082;
	[sflag:s4] =	ssyncset.s32 $0xFFFFF086  }
0x25: {  	[simem:s6], [sflag:s4] =	dma.local [hbm:s3], $0xF7A  }
0x26: {  	[smem:$0x3F9E] =	sst s1;
	(tag) =	ssettag s2;
	_ =	strace s9  }
0x27: {  	s1 =	sld [smem:$0x3FAE]  }
0x28: {  	s2 =	sld [smem:$0x3FAF]  }
0x29: {  	s4 =	sld [smem:$0x3FB1]  }
0x2a: {  	p0 =	seq.s32 s5, $0x0;
	s5 =	sld [smem:$0x3FB2]  }
0x2b: {  	s6 =	sld [smem:$0x3FB3]  }
0x2c: {  	s7 =	sld [smem:$0x3FB4]  }
0x2d: {  	s3 =	simm.s32 $0x108;
	s8 =	sld [smem:$0x3FB5]  }
0x2e: {  	s3 =	simm.s32 @!p0 $0x1082;
	s9 =	sld [smem:$0x3FB6]  }
0x2f: {  	lr =	sadd.s32 s0, s3;
	s0 =	sld [smem:$0x3FAD]  }
0x30: {  	s3 =	sld [smem:$0x3FB0]  }
0x31: {  	[smem:$0x3FB9] =	sst s10  }
0x32: {  	s10 =	sld [smem:$0x3FB7];
	_ =	sdelay $0x3  }
0x33: {  	p0 =	seq.s32 s10, $0x1;
	s10 =	sld [smem:$0x3FB9];
	_ =	sdelay $0x3  }
0x34: {  	[smem:$0x3FB9] =	sst s10  }
0x35: {  	s10 =	sld [smem:$0x3FB8];
	_ =	sdelay $0x3  }
0x36: {  	p1 =	seq.s32 s10, $0x1;
	s10 =	sld [smem:$0x3FB9];
	_ =	sdelay $0x3  }
0x37: {  	[smem:$0x3FB9] =	sst s10  }
0x38: {  	s10 =	sld [smem:$0x3FBA]  }
0x39: {  	_ = 	snop;
	(pc) =	sbr.ind lr, $3  }
0x3a: {  	_ = 	snop  }
0x3b: {  	_ = 	snop  }
0x3c: {  	p2 =	seq.s32 s10, $0x1;
	s10 =	sld [smem:$0x3FB9]  }
0x3d: {  	_ =	shalt  }
0x3e: {  	_ =	shalt  }
0x3f: {  	_ =	shalt  }
0x40: {  	_ =	shalt  }
0x41: {  	_ =	shalt  }
0x42: {  	_ =	shalt  }
0x43: {  	_ =	shalt  }
0x44: {  	_ =	shalt  }
0x45: {  	_ =	shalt  }
0x46: {  	_ =	shalt  }
0x47: {  	_ =	shalt  }
0x48: {  	_ =	shalt  }
0x49: {  	_ =	shalt  }
0x4a: {  	_ =	shalt  }
0x4b: {  	_ =	shalt  }
0x4c: {  	_ =	shalt  }
0x4d: {  	_ =	shalt  }
0x4e: {  	_ =	shalt  }
0x4f: {  	_ =	shalt  }
0x50: {  	_ =	shalt  }
0x51: {  	_ =	shalt  }
0x52: {  	_ =	shalt  }
0x53: {  	_ =	shalt  }
0x54: {  	_ =	shalt  }
0x55: {  	_ =	shalt  }
0x56: {  	_ =	shalt  }
0x57: {  	_ =	shalt  }
0x58: {  	_ =	shalt  }
0x59: {  	_ =	shalt  }
0x5a: {  	_ =	shalt  }
0x5b: {  	_ =	shalt  }
0x5c: {  	_ =	shalt  }
0x5d: {  	_ =	shalt  }
0x5e: {  	_ =	shalt  }
0x5f: {  	_ =	shalt  }
0x60: {  	_ =	shalt  }
0x61: {  	_ =	shalt  }
0x62: {  	_ =	shalt  }
0x63: {  	_ =	shalt  }
0x64: {  	_ =	shalt  }
0x65: {  	_ =	shalt  }
0x66: {  	_ =	shalt  }
0x67: {  	_ =	shalt  }
0x68: {  	_ =	shalt  }
0x69: {  	_ =	shalt  }
0x6a: {  	_ =	shalt  }
0x6b: {  	_ =	shalt  }
0x6c: {  	_ =	shalt  }
0x6d: {  	_ =	shalt  }
0x6e: {  	_ =	shalt  }
0x6f: {  	_ =	shalt  }
0x70: {  	_ =	shalt  }
0x71: {  	_ =	shalt  }
0x72: {  	_ =	shalt  }
0x73: {  	_ =	shalt  }
0x74: {  	_ =	shalt  }
0x75: {  	_ =	shalt  }
0x76: {  	_ =	shalt  }
0x77: {  	_ =	shalt  }
0x78: {  	_ =	shalt  }
0x79: {  	_ =	shalt  }
0x7a: {  	_ =	shalt  }
0x7b: {  	_ =	shalt  }
0x7c: {  	_ =	shalt  }
0x7d: {  	_ =	shalt  }
0x7e: {  	_ =	shalt  }
0x7f: {  	_ =	shalt  }
0x80: {  	_ =	shalt  }
0x81: {  	_ =	shalt  }
0x82: {  	_ =	shalt  }
0x83: {  	_ =	shalt  }
0x84: {  	_ =	shalt  }
0x85: {  	_ =	shalt  }
0x86: {  	_ =	shalt  }
0x87: {  	_ =	shalt  }
.Lfunc_end0:
.L_simem_size_0:
called_computation.3_lowered:
.L_overlay_start_0:
0x88: {  	s2 =	sld [smem:$0x3FD9]  }
0x89: {  	s3 =	sld [smem:$0x3FFE];
	_ =	sdelay $0x1  }
0x8a: {  	s1 =	srdreg.scid  }
0x8b: {  	s0 =	sand.u32 $0x1, s1  }
0x8c: {  	s24 =	sshll.u32 s0, $0xA;
	s2 =	sadd.s32 s3, s2  }
0x8d: {  	s2 =	sadd.s32 s2, s24  }
0x8e: {  	s4 =	simm.s32 $0x0;
	[smem:$0x3FC5] =	sst s2  }
0x8f: {  	[smem:$0xF] =	sst s4  }
0x90: {  	(tm) =	ssettm $0x1  }
0x91: {  	s25 =	sld [smem:$0x3FFB];
	_ =	sdelay $0x3  }
0x92: {  	_ =	strace s25  }
0x93: {  	s2 =	sld [smem:$0x3FFC];
	_ =	sdelay $0x3  }
0x94: {  	_ =	strace s2  }
0x95: {  	s2 =	sld [smem:$0x3FFD];
	_ =	sdelay $0x3  }
0x96: {  	_ =	strace s2  }
0x97: {  	s26 =	simm.s32 $0x1B8B;
	_ =	strace $0x8FFFFFFF  }
0x98: {  	_ =	swait.ge [sflag:s26], $0x1  }
0x99: {  	s28 =	sld [smem:$0x3FFE]  }
0x9a: {  	[sflag:s26] =	ssyncset.done $0x0  }
0x9b: {  	s29 =	simm.s32 $0x1B8E;
	[sflag:s26] =	ssyncadd.s32 $0xFFFFFFFF  }
0x9c: {  	s6 =	simm.s32 $0x9;
	[smem:$0x3FD2] =	sst s29  }
0x9d: {  	s5 =	simm.s32 $0x10;
	_ =	strace $0x80000046;
	s30 =	sadd.s32 $0x1A00, s28  }
0x9e: {  	[smem:s5], [sflag:s6] =	dma.local [hbm:s30], $0x20  }
0x9f: {  	_ =	swait.ge [sflag:s6], $0x20  }
0xa0: {  	s5 =	sshll.u32 s0, $0x7;
	[sflag:s6] =	ssyncset.done $0x0  }
0xa1: {  	s8 =	sor.u32 $0x10, s5;
	[sflag:s6] =	ssyncadd.s32 $0xFFFFFFE0  }
0xa2: {  	s6 =	sld [smem:s8+$0x0];
	_ =	sdelay $0x2  }
0xa3: {  	s31 =	sshrl.u32 s5, $0x3  }
0xa4: {  	s7 =	smul.u32 $0xC00, s31;
	s9 =	sshrl.u32 s6, $0x3  }
0xa5: {  	s10 =	sand.u32 $0x380, s4;
	s6 =	sshll.u32 s6, $0x7;
	s9 =	smul.u32 $0xC00, s9  }
0xa6: {  	s4 =	simm.s32 $0x1;
	s2 =	sadd.s32 $0x2200, s28;
	s6 =	sand.u32 $0x380, s6  }
0xa7: {  	s3 =	sadd.s32 $0x496000, s28;
	s7 =	sor.u32 s10, s7;
	s9 =	sor.u32 s6, s9  }
0xa8: {  	s10 =	sshrl.u32 s7, $0x3;
	s7 =	simm.s32 $0xA;
	s9 =	sshrl.u32 s9, $0x3  }
0xa9: {  	s10 =	sadd.s32 s3, s10;
	s6 =	simm.s32 $0x80;
	s9 =	sadd.s32 s2, s9  }
0xaa: {  	[hbm:s10@s6], [sflag:s7] =	dma.strided [hbm:s9@s6], $0x30, s4, $0x10   }
0xab: {  	s9 =	sadd.s32 $0x1, s8  }
0xac: {  	s8 =	simm.s32 $0x80;
	s10 =	simm.s32 $0x100;
	s11 =	sld [smem:s9+$0x0]  }
.LBB1_1:
0xad: {  	p0 =	sne.s32 s10, $0x3F80  }
0xae: {  	s5 =	sadd.s32 $0x1, s5  }
0xaf: {  	s12 =	sshrl.u32 s5, $0x3  }
0xb0: {  	s12 =	smul.u32 $0xC00, s12;
	s13 =	sshrl.u32 s11, $0x3  }
0xb1: {  	s11 =	sshll.u32 s11, $0x7;
	s13 =	smul.u32 $0xC00, s13  }
0xb2: {  	s14 =	sand.u32 $0x380, s8;
	s8 =	smov.u32 s10;
	s11 =	sand.u32 $0x380, s11  }
0xb3: {  	s12 =	sor.u32 s14, s12;
	s11 =	sor.u32 s11, s13  }
.Ltmp0:
0xb4: {  	s12 =	sshrl.u32 s12, $0x3;
	s11 =	sshrl.u32 s11, $0x3;
	(pc) =	sbr.rel @p0 .LBB1_1-.Ltmp0, $3  }
0xb5: {  	s9 =	sadd.s32 $0x1, s9;
	s12 =	sadd.s32 s3, s12;
	s11 =	sadd.s32 s2, s11  }
0xb6: {  	[hbm:s12@s6], [sflag:s7] =	dma.strided [hbm:s11@s6], $0x30, s4, $0x10   }
0xb7: {  	s10 =	sadd.s32 $0x80, s10;
	s11 =	sld [smem:s9+$0x0]  }
0xb8: {  	_ = 	snop  }
0xb9: {  	s5 =	sadd.s32 $0x1, s5  }
0xba: {  	s5 =	sshrl.u32 s5, $0x3  }
0xbb: {  	s5 =	smul.u32 $0xC00, s5;
	s9 =	sshrl.u32 s11, $0x3  }
0xbc: {  	s10 =	sshll.u32 s11, $0x7;
	s9 =	smul.u32 $0xC00, s9  }
0xbd: {  	s8 =	sand.u32 $0x380, s8;
	s10 =	sand.u32 $0x380, s10  }
0xbe: {  	s5 =	sor.u32 s8, s5;
	s26 =	sor.u32 s10, s9  }
0xbf: {  	s5 =	sshrl.u32 s5, $0x3;
	s8 =	sshrl.u32 s26, $0x3  }
0xc0: {  	s28 =	simm.s32 $0xA;
	s3 =	sadd.s32 s3, s5;
	s2 =	sadd.s32 s2, s8  }
0xc1: {  	[hbm:s3@s6], [sflag:s7] =	dma.strided [hbm:s2@s6], $0x30, s4, $0x10   }
0xc2: {  	_ =	swait.ge [sflag:s28], $0x1800  }
0xc3: {  	[sflag:s28] =	ssyncset.done $0x0  }
0xc4: {  	[sflag:s28] =	ssyncadd.s32 $0xFFFFE800  }
0xc5: {  	_ =	strace $0x90000046  }
0xc6: {  	_ =	sfence  }
0xc7: {  	s29 =	sld [smem:$0x0];
	_ =	sdelay $0x2  }
0xc8: {  	s30 =	sshll.u32 s1, $0xD;
	s31 =	sshrl.u32 s1, $0x2  }
0xc9: {  	s3 =	sand.u32 $0x4000, s30;
	s1 =	sadd.s32 s31, s29  }
0xca: {  	s0 =	sor.u32 s3, s0;
	s1 =	sshll.u32 s1, $0x11  }
0xcb: {  	s0 =	sor.u32 s1, s0  }
0xcc: {  	s0 =	sadd.s32 $0x8F2B, s0;
	(pc) =	sbr.abs _section_cstart, $3  }
0xcd: {  	[sflag:s0] =	ssyncadd.remote.s32 $0x1  }
0xce: {  	_ =	strace $0x9FFFFFFF  }
0xcf: {  	(tm) =	ssettm $0x7FFFFFFF  }

</sc_bundles>
